<compile_context>
chip_gen: v7x
topology: tpu7x:2x2x1
jax: 0.10.2.dev20260603
libtpu: 0.0.44.dev20260713+nightly
codegen_flags: <defaults>
</compile_context>

<pallas_src>
import functools

import jax
import jax.numpy as jnp
from jax import lax
from jax.experimental import pallas as pl
from jax.experimental.pallas import tpu as pltpu
from jax.experimental.pallas import tpu_sc as plsc

N_NODES = 10000
N_EDGES = 320000
D_FEAT = 128
D_EDGE = 16
HIDDEN = 128
OUT = 128

NC = 2
NS = 16
DH = D_FEAT // NC
CHUNK = 128
TOT_CHUNKS = N_EDGES // CHUNK
BASE_CH = TOT_CHUNKS // NS
EXTRA = TOT_CHUNKS - BASE_CH * NS
T_MAX = BASE_CH + 1
T_LOOP = 158
UNROLL = 2
IDX_ROWS = 2504
EDGE_SPLIT = TOT_CHUNKS // NC
NZ_S = 10
ZROWS = 125


def _sc_agg_body(rxlo_hbm, rxhi_hbm, src_hbm, dst_hbm, ea_hbm,
                 outn_hbm, oute_hbm,
                 src_v, dst_v, rows, ebuf, zbuf, zbuf16,
                 accn_sh, acce_sh, gsem, ssem, esem, tsem):
    cid = lax.axis_index("c")
    sid = lax.axis_index("s")

    zero16 = jnp.zeros((16,), jnp.float32)

    def _zrow(i, carry):
        for k in range(DH // 16):
            zbuf[i, pl.ds(k * 16, 16)] = zero16
        zbuf16[i, :] = zero16
        return carry

    rows_z = N_NODES // NZ_S

    @pl.when(sid < NZ_S)
    def _zero_fill():
        lax.fori_loop(0, ZROWS, _zrow, 0)
        for j in range(rows_z // ZROWS):
            r0 = sid * rows_z + j * ZROWS
            pltpu.sync_copy(zbuf, accn_sh.at[pl.ds(r0, ZROWS)])
            pltpu.sync_copy(zbuf16, acce_sh.at[pl.ds(r0, ZROWS)])

    plsc.subcore_barrier()

    accn_nodes = accn_sh
    acce_nodes = acce_sh

    start = sid * BASE_CH + jnp.minimum(sid, EXTRA)
    n_t = BASE_CH + (sid < EXTRA).astype(jnp.int32)

    pltpu.sync_copy(src_hbm.at[pl.ds(start, T_MAX)], src_v)
    pltpu.sync_copy(dst_hbm.at[pl.ds(start, T_MAX)], dst_v)

    def _issue_gather(t, q):
        @pl.when(cid == 0)
        def _g_lo():
            pltpu.async_copy(rxlo_hbm.at[src_v.at[t]], rows.at[q], gsem[q])

        @pl.when(cid == 1)
        def _g_hi():
            pltpu.async_copy(rxhi_hbm.at[src_v.at[t]], rows.at[q], gsem[q])

    def _edge_active(t):
        return ((start + t) // EDGE_SPLIT) == cid

    def _issue_edge(t, q):
        @pl.when(_edge_active(t))
        def _e():
            pltpu.async_copy(ea_hbm.at[pl.ds((start + t) * CHUNK, CHUNK)],
                             ebuf.at[q], esem[q])

    _issue_gather(0, 0)
    _issue_edge(0, 0)

    def _step(s, carry):
        for q in range(UNROLL):
            t = UNROLL * s + q
            q1 = (q + 1) % UNROLL

            @pl.when((t >= 1) & (t - 1 < n_t))
            def _drain():
                pltpu.make_async_copy(
                    rows.at[q1], accn_nodes.at[dst_v.at[t - 1]], ssem[q1]
                ).wait()

                @pl.when(_edge_active(t - 1))
                def _drain_e():
                    pltpu.make_async_copy(
                        ebuf.at[q1], acce_nodes.at[dst_v.at[t - 1]], tsem[q1]
                    ).wait()

            @pl.when(t + 1 < n_t)
            def _issue_next():
                _issue_gather(t + 1, q1)
                _issue_edge(t + 1, q1)

            @pl.when(t < n_t)
            def _node_part():
                pltpu.make_async_copy(rxlo_hbm.at[src_v.at[t]], rows.at[q],
                                      gsem[q]).wait()
                pltpu.async_copy(rows.at[q], accn_nodes.at[dst_v.at[t]],
                                 ssem[q], add=True)

            @pl.when((t < n_t) & _edge_active(t))
            def _edge_part():
                pltpu.make_async_copy(
                    ea_hbm.at[pl.ds((start + t) * CHUNK, CHUNK)],
                    ebuf.at[q], esem[q]).wait()

                def _relu_row(r, carry):
                    for k in range(8):
                        i = r * 8 + k
                        ebuf[q, i, :] = jnp.maximum(ebuf[q, i, :], 0.0)
                    return carry

                lax.fori_loop(0, CHUNK // 8, _relu_row, 0)
                pltpu.async_copy(ebuf.at[q], acce_nodes.at[dst_v.at[t]],
                                 tsem[q], add=True)

        return carry

    lax.fori_loop(0, T_LOOP // UNROLL, _step, 0)
    plsc.subcore_barrier()

    @pl.when(sid < NZ_S)
    def _copy_out():
        r0 = sid * rows_z
        pltpu.sync_copy(accn_sh.at[pl.ds(r0, rows_z)],
                        outn_hbm.at[cid, pl.ds(r0, rows_z)])
        pltpu.sync_copy(acce_sh.at[pl.ds(r0, rows_z)],
                        oute_hbm.at[cid, pl.ds(r0, rows_z)])


_sc_agg = functools.partial(
    pl.kernel,
    out_type=(jax.ShapeDtypeStruct((NC, N_NODES, DH), jnp.float32),
              jax.ShapeDtypeStruct((NC, N_NODES, D_EDGE), jnp.float32)),
    mesh=plsc.VectorSubcoreMesh(core_axis_name="c", subcore_axis_name="s"),
    compiler_params=pltpu.CompilerParams(use_tc_tiling_on_sc=False),
    scratch_types=[
        pltpu.VMEM((T_MAX, CHUNK), jnp.int32),
        pltpu.VMEM((T_MAX, CHUNK), jnp.int32),
        pltpu.VMEM((UNROLL, CHUNK, DH), jnp.float32),
        pltpu.VMEM((UNROLL, CHUNK, D_EDGE), jnp.float32),
        pltpu.VMEM((ZROWS, DH), jnp.float32),
        pltpu.VMEM((ZROWS, D_EDGE), jnp.float32),
        pltpu.VMEM_SHARED((N_NODES, DH), jnp.float32),
        pltpu.VMEM_SHARED((N_NODES, D_EDGE), jnp.float32),
        [pltpu.SemaphoreType.DMA] * UNROLL,
        [pltpu.SemaphoreType.DMA] * UNROLL,
        [pltpu.SemaphoreType.DMA] * UNROLL,
        [pltpu.SemaphoreType.DMA] * UNROLL,
    ],
)(_sc_agg_body)


def _prep_body(x_ref, rxlo_ref, rxhi_ref):
    rx = jnp.maximum(x_ref[...], 0.0)
    rxlo_ref[...] = rx[:, :DH]
    rxhi_ref[...] = rx[:, DH:]


def _mlp_body(an, ae, xlo, xhi, w1lo, w1hi, w1e, b1, w2, b2, o_ref):
    hlo = an[0] + xlo[...]
    hhi = an[1] + xhi[...]
    he = ae[0] + ae[1]
    h1 = jnp.dot(hlo, w1lo[...], preferred_element_type=jnp.float32)
    h1 += jnp.dot(hhi, w1hi[...], preferred_element_type=jnp.float32)
    h1 += jnp.dot(he, w1e[...], preferred_element_type=jnp.float32)
    h1 = jnp.maximum(h1 + b1[...], 0.0)
    o_ref[...] = jnp.dot(h1, w2[...], preferred_element_type=jnp.float32) + b2[...]


def kernel(x, edge_index, edge_attr, W1, b1, W2, b2):
    src = edge_index[0].astype(jnp.int32).reshape(TOT_CHUNKS, CHUNK)
    dst = edge_index[1].astype(jnp.int32).reshape(TOT_CHUNKS, CHUNK)
    pad = ((0, IDX_ROWS - TOT_CHUNKS), (0, 0))
    src = jnp.pad(src, pad)
    dst = jnp.pad(dst, pad)

    rx_lo, rx_hi = pl.pallas_call(
        _prep_body,
        out_shape=(jax.ShapeDtypeStruct((N_NODES, DH), jnp.float32),
                   jax.ShapeDtypeStruct((N_NODES, DH), jnp.float32)),
    )(x)

    accn, acce = _sc_agg(rx_lo, rx_hi, src, dst, edge_attr)

    out = pl.pallas_call(
        _mlp_body,
        out_shape=jax.ShapeDtypeStruct((N_NODES, OUT), jnp.float32),
    )(accn, acce, x[:, :DH], x[:, DH:],
      W1[:DH], W1[DH:D_FEAT], W1[D_FEAT:], b1.reshape(1, HIDDEN),
      W2, b2.reshape(1, OUT))
    return out

# --- scband reference (transcript-rebuilt; emitter-appended) ---
"""Pipeline reference for scband-ginnnet-34067680592556 (READ-ONLY COPY).

The authoritative reference and input builder live on the scoring server;
editing this copy changes nothing except your own understanding.
"""

import jax, jax.numpy as jnp
import numpy as np

N_NODES = 10000
N_EDGES = 320000
D_FEAT = 128
D_EDGE = 16
HIDDEN = 128
OUT = 128

def setup_inputs(seed: int = 0) -> dict:
    key = jax.random.key(seed)
    k_x, k_ei, k_ea, k_w1, k_b1, k_w2, k_b2 = jax.random.split(key, 7)
    x = jax.random.normal(k_x, (N_NODES, D_FEAT), dtype=jnp.float32)
    edge_index = jax.random.randint(k_ei, (2, N_EDGES), 0, N_NODES, dtype=jnp.int64)
    edge_attr = jax.random.normal(k_ea, (N_EDGES, D_EDGE), dtype=jnp.float32)
    # MLP params: Linear(input_dim + edge_dim -> hidden), ReLU, Linear(hidden -> output)
    in1 = D_FEAT + D_EDGE
    W1 = jax.random.normal(k_w1, (in1, HIDDEN), dtype=jnp.float32) * (1.0 / np.sqrt(in1))
    b1 = jax.random.normal(k_b1, (HIDDEN,), dtype=jnp.float32) * 0.01
    W2 = jax.random.normal(k_w2, (HIDDEN, OUT), dtype=jnp.float32) * (1.0 / np.sqrt(HIDDEN))
    b2 = jax.random.normal(k_b2, (OUT,), dtype=jnp.float32) * 0.01
    return {"x": x, "edge_index": edge_index, "edge_attr": edge_attr,
            "W1": W1, "b1": b1, "W2": W2, "b2": b2}

def reference(x, edge_index, edge_attr, W1, b1, W2, b2):
    # GINEConv (concat variant consistent with mlp input dim = input_dim + edge_dim):
    #   message m_e = ReLU(concat(x[src_e], edge_attr_e))
    #   aggr_i = sum_{e: dst_e = i} m_e        (scatter-add / segment_sum)
    #   h_i = aggr_i + concat((1+eps)*x_i, 0)  with eps = 0
    #   out = MLP(h)
    src = edge_index[0]
    dst = edge_index[1]
    x_j = jnp.take(x, src, axis=0)                       # gather [E, d_feat]
    m = jax.nn.relu(jnp.concatenate([x_j, edge_attr], axis=1))  # [E, d_feat+d_edge]
    agg = jax.ops.segment_sum(m, dst, num_segments=N_NODES)     # scatter-add [N, d_feat+d_edge]
    h = agg.at[:, :D_FEAT].add(x)                        # (1+eps)*x with eps=0, node part only
    h1 = jax.nn.relu(h @ W1 + b1)
    out = h1 @ W2 + b2
    return out

if __name__ == "__main__":
    import jax
    _d = setup_inputs()
    print(jax.jit(kernel)(*tuple(_d.values())))

</pallas_src>

<mosaic_0001>
#map = affine_map<(d0, d1) -> (0, 0)>
#map1 = affine_map<(d0, d1) -> (0, 0, 0)>
module attributes {stable_mosaic.version = 14 : i64} {
  func.func @_sc_agg_body(%arg0: i32, %arg1: i32, %arg2: memref<10000x64xf32, #tpu.memory_space<hbm>>, %arg3: memref<10000x64xf32, #tpu.memory_space<hbm>>, %arg4: memref<2504x128xi32, #tpu.memory_space<hbm>>, %arg5: memref<2504x128xi32, #tpu.memory_space<hbm>>, %arg6: memref<320000x16xf32, #tpu.memory_space<hbm>>, %arg7: memref<2x10000x64xf32, #tpu.memory_space<hbm>>, %arg8: memref<2x10000x16xf32, #tpu.memory_space<hbm>>, %arg9: memref<157x128xi32, #tpu.memory_space<vmem>>, %arg10: memref<157x128xi32, #tpu.memory_space<vmem>>, %arg11: memref<2x128x64xf32, #tpu.memory_space<vmem>>, %arg12: memref<2x128x16xf32, #tpu.memory_space<vmem>>, %arg13: memref<125x64xf32, #tpu.memory_space<vmem>>, %arg14: memref<125x16xf32, #tpu.memory_space<vmem>>, %arg15: memref<10000x64xf32, #tpu.memory_space<vmem_shared>>, %arg16: memref<10000x16xf32, #tpu.memory_space<vmem_shared>>, %arg17: memref<!tpu.dma_semaphore, #tpu.memory_space<semaphore_mem>>, %arg18: memref<!tpu.dma_semaphore, #tpu.memory_space<semaphore_mem>>, %arg19: memref<!tpu.dma_semaphore, #tpu.memory_space<semaphore_mem>>, %arg20: memref<!tpu.dma_semaphore, #tpu.memory_space<semaphore_mem>>, %arg21: memref<!tpu.dma_semaphore, #tpu.memory_space<semaphore_mem>>, %arg22: memref<!tpu.dma_semaphore, #tpu.memory_space<semaphore_mem>>, %arg23: memref<!tpu.dma_semaphore, #tpu.memory_space<semaphore_mem>>, %arg24: memref<!tpu.dma_semaphore, #tpu.memory_space<semaphore_mem>>) attributes {dimension_semantics = [#tpu.dimension_semantics<core_parallel>, #tpu.dimension_semantics<subcore_parallel>], iteration_bounds = array<i64: 2, 16>, scalar_prefetch = 0 : i64, scratch_operands = 16 : i64, tpu.core_type = #tpu.core_type<sc_vector_subcore>, window_params = [{transform_indices = #map}, {transform_indices = #map}, {transform_indices = #map}, {transform_indices = #map}, {transform_indices = #map}, {transform_indices = #map1}, {transform_indices = #map1}]} {
    %broadcast_in_dim3A = arith.constant 0.000000e+00 : f32
    %broadcast_in_dim3A_0 = vector.broadcast %broadcast_in_dim3A : f32 to vector<16xf32>
    %lt3A = arith.constant 10 : i32
    %lt3A_1 = arith.cmpi slt, %arg1, %lt3A : i32
    %convert_element_type3A = arith.extui %lt3A_1 : i1 to i32
    %cond3A = arith.constant 0 : i32
    %cond3A_2 = arith.cmpi ne, %convert_element_type3A, %cond3A : i32
    scf.if %cond3A_2 {
      %scan3A_52 = arith.constant 0 : i32
      %scan3A_53 = arith.constant 0 : i32
      %scan3A_54 = arith.constant 125 : i32
      %scan3A_55 = arith.addi %scan3A_53, %scan3A_54 : i32
      %scan3A_56 = arith.constant 1 : i32
      scf.for %scan3A_90 = %scan3A_53 to %scan3A_55 step %scan3A_56  : i32 {
        %swap3A = arith.index_cast %scan3A_90 : i32 to index
        %swap3A_91 = arith.constant 0 : index
        %swap3A_92 = tpu.vector_load %arg13[%swap3A, %swap3A_91] {strides = array<i32>} : memref<125x64xf32, #tpu.memory_space<vmem>>, vector<1x16xf32>,
        %swap3A_93 = vector.shape_cast %swap3A_92 : vector<1x16xf32> to vector<16xf32>
        %swap3A_94 = vector.shape_cast %broadcast_in_dim3A_0 : vector<16xf32> to vector<1x16xf32>
        tpu.vector_store %arg13[%swap3A, %swap3A_91], %swap3A_94 {strides = array<i32>} : memref<125x64xf32, #tpu.memory_space<vmem>>, vector<1x16xf32>,
        %swap3A_95 = arith.index_cast %scan3A_90 : i32 to index
        %swap3A_96 = arith.constant 16 : index
        %swap3A_97 = tpu.vector_load %arg13[%swap3A_95, %swap3A_96] {strides = array<i32>} : memref<125x64xf32, #tpu.memory_space<vmem>>, vector<1x16xf32>,
        %swap3A_98 = vector.shape_cast %swap3A_97 : vector<1x16xf32> to vector<16xf32>
        %swap3A_99 = vector.shape_cast %broadcast_in_dim3A_0 : vector<16xf32> to vector<1x16xf32>
        tpu.vector_store %arg13[%swap3A_95, %swap3A_96], %swap3A_99 {strides = array<i32>} : memref<125x64xf32, #tpu.memory_space<vmem>>, vector<1x16xf32>,
        %swap3A_100 = arith.index_cast %scan3A_90 : i32 to index
        %swap3A_101 = arith.constant 32 : index
        %swap3A_102 = tpu.vector_load %arg13[%swap3A_100, %swap3A_101] {strides = array<i32>} : memref<125x64xf32, #tpu.memory_space<vmem>>, vector<1x16xf32>,
        %swap3A_103 = vector.shape_cast %swap3A_102 : vector<1x16xf32> to vector<16xf32>
        %swap3A_104 = vector.shape_cast %broadcast_in_dim3A_0 : vector<16xf32> to vector<1x16xf32>
        tpu.vector_store %arg13[%swap3A_100, %swap3A_101], %swap3A_104 {strides = array<i32>} : memref<125x64xf32, #tpu.memory_space<vmem>>, vector<1x16xf32>,
        %swap3A_105 = arith.index_cast %scan3A_90 : i32 to index
        %swap3A_106 = arith.constant 48 : index
        %swap3A_107 = tpu.vector_load %arg13[%swap3A_105, %swap3A_106] {strides = array<i32>} : memref<125x64xf32, #tpu.memory_space<vmem>>, vector<1x16xf32>,
        %swap3A_108 = vector.shape_cast %swap3A_107 : vector<1x16xf32> to vector<16xf32>
        %swap3A_109 = vector.shape_cast %broadcast_in_dim3A_0 : vector<16xf32> to vector<1x16xf32>
        tpu.vector_store %arg13[%swap3A_105, %swap3A_106], %swap3A_109 {strides = array<i32>} : memref<125x64xf32, #tpu.memory_space<vmem>>, vector<1x16xf32>,
        %swap3A_110 = arith.index_cast %scan3A_90 : i32 to index
        %swap3A_111 = arith.constant 0 : index
        %swap3A_112 = tpu.vector_load %arg14[%swap3A_110, %swap3A_111] {strides = array<i32>} : memref<125x16xf32, #tpu.memory_space<vmem>>, vector<1x16xf32>,
        %swap3A_113 = vector.shape_cast %swap3A_112 : vector<1x16xf32> to vector<16xf32>
        %swap3A_114 = vector.shape_cast %broadcast_in_dim3A_0 : vector<16xf32> to vector<1x16xf32>
        tpu.vector_store %arg14[%swap3A_110, %swap3A_111], %swap3A_114 {strides = array<i32>} : memref<125x16xf32, #tpu.memory_space<vmem>>, vector<1x16xf32>,
      }
      %scan3A_57 = arith.constant 125 : i32
      %mul3A_58 = arith.constant 1000 : i32
      %mul3A_59 = arith.muli %arg1, %mul3A_58 : i32
      %add3A_60 = arith.constant 0 : i32
      %add3A_61 = arith.addi %mul3A_59, %add3A_60 : i32
      "tpu.region"() ({
        %run_scoped3A = tpu.sem_alloc : memref<!tpu.dma_semaphore, #tpu.memory_space<semaphore_mem>>
        %dma_start3A = arith.constant 0 : i32
        %dma_start3A_90 = tpu.memref_slice %arg15[%add3A_61, %dma_start3A] : memref<10000x64xf32, #tpu.memory_space<vmem_shared>> -> memref<125x64xf32, #tpu.memory_space<vmem_shared>>
        %dma_start3A_91 = arith.constant 0 : i32
        %dma_start3A_92 = tpu.memref_slice %arg15[%add3A_61, %dma_start3A_91] : memref<10000x64xf32, #tpu.memory_space<vmem_shared>> -> memref<125x64xf32, #tpu.memory_space<vmem_shared>>
        tpu.enqueue_dma source(%arg13 : memref<125x64xf32, #tpu.memory_space<vmem>>) target(%dma_start3A_92 : memref<125x64xf32, #tpu.memory_space<vmem_shared>>) target_semaphore(%run_scoped3A : memref<!tpu.dma_semaphore, #tpu.memory_space<semaphore_mem>>)
        %dma_wait3A = arith.constant 0 : i32
        %dma_wait3A_93 = tpu.memref_slice %arg15[%add3A_61, %dma_wait3A] : memref<10000x64xf32, #tpu.memory_space<vmem_shared>> -> memref<125x64xf32, #tpu.memory_space<vmem_shared>>
        %dma_wait3A_94 = arith.constant 0 : i32
        %dma_wait3A_95 = tpu.memref_slice %arg15[%add3A_61, %dma_wait3A_94] : memref<10000x64xf32, #tpu.memory_space<vmem_shared>> -> memref<125x64xf32, #tpu.memory_space<vmem_shared>>
        tpu.wait_dma2 semaphore(%run_scoped3A : memref<!tpu.dma_semaphore, #tpu.memory_space<semaphore_mem>>) src(%arg13 : memref<125x64xf32, #tpu.memory_space<vmem>>) dst(%dma_wait3A_95 : memref<125x64xf32, #tpu.memory_space<vmem_shared>>)
        tpu.yield
      }) : () -> ()
      "tpu.region"() ({
        %run_scoped3A = tpu.sem_alloc : memref<!tpu.dma_semaphore, #tpu.memory_space<semaphore_mem>>
        %dma_start3A = arith.constant 0 : i32
        %dma_start3A_90 = tpu.memref_slice %arg16[%add3A_61, %dma_start3A] : memref<10000x16xf32, #tpu.memory_space<vmem_shared>> -> memref<125x16xf32, #tpu.memory_space<vmem_shared>>
        %dma_start3A_91 = arith.constant 0 : i32
        %dma_start3A_92 = tpu.memref_slice %arg16[%add3A_61, %dma_start3A_91] : memref<10000x16xf32, #tpu.memory_space<vmem_shared>> -> memref<125x16xf32, #tpu.memory_space<vmem_shared>>
        tpu.enqueue_dma source(%arg14 : memref<125x16xf32, #tpu.memory_space<vmem>>) target(%dma_start3A_92 : memref<125x16xf32, #tpu.memory_space<vmem_shared>>) target_semaphore(%run_scoped3A : memref<!tpu.dma_semaphore, #tpu.memory_space<semaphore_mem>>)
        %dma_wait3A = arith.constant 0 : i32
        %dma_wait3A_93 = tpu.memref_slice %arg16[%add3A_61, %dma_wait3A] : memref<10000x16xf32, #tpu.memory_space<vmem_shared>> -> memref<125x16xf32, #tpu.memory_space<vmem_shared>>
        %dma_wait3A_94 = arith.constant 0 : i32
        %dma_wait3A_95 = tpu.memref_slice %arg16[%add3A_61, %dma_wait3A_94] : memref<10000x16xf32, #tpu.memory_space<vmem_shared>> -> memref<125x16xf32, #tpu.memory_space<vmem_shared>>
        tpu.wait_dma2 semaphore(%run_scoped3A : memref<!tpu.dma_semaphore, #tpu.memory_space<semaphore_mem>>) src(%arg14 : memref<125x16xf32, #tpu.memory_space<vmem>>) dst(%dma_wait3A_95 : memref<125x16xf32, #tpu.memory_space<vmem_shared>>)
        tpu.yield
      }) : () -> ()
      %mul3A_62 = arith.constant 1000 : i32
      %mul3A_63 = arith.muli %arg1, %mul3A_62 : i32
      %add3A_64 = arith.constant 125 : i32
      %add3A_65 = arith.addi %mul3A_63, %add3A_64 : i32
      "tpu.region"() ({
        %run_scoped3A = tpu.sem_alloc : memref<!tpu.dma_semaphore, #tpu.memory_space<semaphore_mem>>
        %dma_start3A = arith.constant 0 : i32
        %dma_start3A_90 = tpu.memref_slice %arg15[%add3A_65, %dma_start3A] : memref<10000x64xf32, #tpu.memory_space<vmem_shared>> -> memref<125x64xf32, #tpu.memory_space<vmem_shared>>
        %dma_start3A_91 = arith.constant 0 : i32
        %dma_start3A_92 = tpu.memref_slice %arg15[%add3A_65, %dma_start3A_91] : memref<10000x64xf32, #tpu.memory_space<vmem_shared>> -> memref<125x64xf32, #tpu.memory_space<vmem_shared>>
        tpu.enqueue_dma source(%arg13 : memref<125x64xf32, #tpu.memory_space<vmem>>) target(%dma_start3A_92 : memref<125x64xf32, #tpu.memory_space<vmem_shared>>) target_semaphore(%run_scoped3A : memref<!tpu.dma_semaphore, #tpu.memory_space<semaphore_mem>>)
        %dma_wait3A = arith.constant 0 : i32
        %dma_wait3A_93 = tpu.memref_slice %arg15[%add3A_65, %dma_wait3A] : memref<10000x64xf32, #tpu.memory_space<vmem_shared>> -> memref<125x64xf32, #tpu.memory_space<vmem_shared>>
        %dma_wait3A_94 = arith.constant 0 : i32
        %dma_wait3A_95 = tpu.memref_slice %arg15[%add3A_65, %dma_wait3A_94] : memref<10000x64xf32, #tpu.memory_space<vmem_shared>> -> memref<125x64xf32, #tpu.memory_space<vmem_shared>>
        tpu.wait_dma2 semaphore(%run_scoped3A : memref<!tpu.dma_semaphore, #tpu.memory_space<semaphore_mem>>) src(%arg13 : memref<125x64xf32, #tpu.memory_space<vmem>>) dst(%dma_wait3A_95 : memref<125x64xf32, #tpu.memory_space<vmem_shared>>)
        tpu.yield
      }) : () -> ()
      "tpu.region"() ({
        %run_scoped3A = tpu.sem_alloc : memref<!tpu.dma_semaphore, #tpu.memory_space<semaphore_mem>>
        %dma_start3A = arith.constant 0 : i32
        %dma_start3A_90 = tpu.memref_slice %arg16[%add3A_65, %dma_start3A] : memref<10000x16xf32, #tpu.memory_space<vmem_shared>> -> memref<125x16xf32, #tpu.memory_space<vmem_shared>>
        %dma_start3A_91 = arith.constant 0 : i32
        %dma_start3A_92 = tpu.memref_slice %arg16[%add3A_65, %dma_start3A_91] : memref<10000x16xf32, #tpu.memory_space<vmem_shared>> -> memref<125x16xf32, #tpu.memory_space<vmem_shared>>
        tpu.enqueue_dma source(%arg14 : memref<125x16xf32, #tpu.memory_space<vmem>>) target(%dma_start3A_92 : memref<125x16xf32, #tpu.memory_space<vmem_shared>>) target_semaphore(%run_scoped3A : memref<!tpu.dma_semaphore, #tpu.memory_space<semaphore_mem>>)
        %dma_wait3A = arith.constant 0 : i32
        %dma_wait3A_93 = tpu.memref_slice %arg16[%add3A_65, %dma_wait3A] : memref<10000x16xf32, #tpu.memory_space<vmem_shared>> -> memref<125x16xf32, #tpu.memory_space<vmem_shared>>
        %dma_wait3A_94 = arith.constant 0 : i32
        %dma_wait3A_95 = tpu.memref_slice %arg16[%add3A_65, %dma_wait3A_94] : memref<10000x16xf32, #tpu.memory_space<vmem_shared>> -> memref<125x16xf32, #tpu.memory_space<vmem_shared>>
        tpu.wait_dma2 semaphore(%run_scoped3A : memref<!tpu.dma_semaphore, #tpu.memory_space<semaphore_mem>>) src(%arg14 : memref<125x16xf32, #tpu.memory_space<vmem>>) dst(%dma_wait3A_95 : memref<125x16xf32, #tpu.memory_space<vmem_shared>>)
        tpu.yield
      }) : () -> ()
      %mul3A_66 = arith.constant 1000 : i32
      %mul3A_67 = arith.muli %arg1, %mul3A_66 : i32
      %add3A_68 = arith.constant 250 : i32
      %add3A_69 = arith.addi %mul3A_67, %add3A_68 : i32
      "tpu.region"() ({
        %run_scoped3A = tpu.sem_alloc : memref<!tpu.dma_semaphore, #tpu.memory_space<semaphore_mem>>
        %dma_start3A = arith.constant 0 : i32
        %dma_start3A_90 = tpu.memref_slice %arg15[%add3A_69, %dma_start3A] : memref<10000x64xf32, #tpu.memory_space<vmem_shared>> -> memref<125x64xf32, #tpu.memory_space<vmem_shared>>
        %dma_start3A_91 = arith.constant 0 : i32
        %dma_start3A_92 = tpu.memref_slice %arg15[%add3A_69, %dma_start3A_91] : memref<10000x64xf32, #tpu.memory_space<vmem_shared>> -> memref<125x64xf32, #tpu.memory_space<vmem_shared>>
        tpu.enqueue_dma source(%arg13 : memref<125x64xf32, #tpu.memory_space<vmem>>) target(%dma_start3A_92 : memref<125x64xf32, #tpu.memory_space<vmem_shared>>) target_semaphore(%run_scoped3A : memref<!tpu.dma_semaphore, #tpu.memory_space<semaphore_mem>>)
        %dma_wait3A = arith.constant 0 : i32
        %dma_wait3A_93 = tpu.memref_slice %arg15[%add3A_69, %dma_wait3A] : memref<10000x64xf32, #tpu.memory_space<vmem_shared>> -> memref<125x64xf32, #tpu.memory_space<vmem_shared>>
        %dma_wait3A_94 = arith.constant 0 : i32
        %dma_wait3A_95 = tpu.memref_slice %arg15[%add3A_69, %dma_wait3A_94] : memref<10000x64xf32, #tpu.memory_space<vmem_shared>> -> memref<125x64xf32, #tpu.memory_space<vmem_shared>>
        tpu.wait_dma2 semaphore(%run_scoped3A : memref<!tpu.dma_semaphore, #tpu.memory_space<semaphore_mem>>) src(%arg13 : memref<125x64xf32, #tpu.memory_space<vmem>>) dst(%dma_wait3A_95 : memref<125x64xf32, #tpu.memory_space<vmem_shared>>)
        tpu.yield
      }) : () -> ()
      "tpu.region"() ({
        %run_scoped3A = tpu.sem_alloc : memref<!tpu.dma_semaphore, #tpu.memory_space<semaphore_mem>>
        %dma_start3A = arith.constant 0 : i32
        %dma_start3A_90 = tpu.memref_slice %arg16[%add3A_69, %dma_start3A] : memref<10000x16xf32, #tpu.memory_space<vmem_shared>> -> memref<125x16xf32, #tpu.memory_space<vmem_shared>>
        %dma_start3A_91 = arith.constant 0 : i32
        %dma_start3A_92 = tpu.memref_slice %arg16[%add3A_69, %dma_start3A_91] : memref<10000x16xf32, #tpu.memory_space<vmem_shared>> -> memref<125x16xf32, #tpu.memory_space<vmem_shared>>
        tpu.enqueue_dma source(%arg14 : memref<125x16xf32, #tpu.memory_space<vmem>>) target(%dma_start3A_92 : memref<125x16xf32, #tpu.memory_space<vmem_shared>>) target_semaphore(%run_scoped3A : memref<!tpu.dma_semaphore, #tpu.memory_space<semaphore_mem>>)
        %dma_wait3A = arith.constant 0 : i32
        %dma_wait3A_93 = tpu.memref_slice %arg16[%add3A_69, %dma_wait3A] : memref<10000x16xf32, #tpu.memory_space<vmem_shared>> -> memref<125x16xf32, #tpu.memory_space<vmem_shared>>
        %dma_wait3A_94 = arith.constant 0 : i32
        %dma_wait3A_95 = tpu.memref_slice %arg16[%add3A_69, %dma_wait3A_94] : memref<10000x16xf32, #tpu.memory_space<vmem_shared>> -> memref<125x16xf32, #tpu.memory_space<vmem_shared>>
        tpu.wait_dma2 semaphore(%run_scoped3A : memref<!tpu.dma_semaphore, #tpu.memory_space<semaphore_mem>>) src(%arg14 : memref<125x16xf32, #tpu.memory_space<vmem>>) dst(%dma_wait3A_95 : memref<125x16xf32, #tpu.memory_space<vmem_shared>>)
        tpu.yield
      }) : () -> ()
      %mul3A_70 = arith.constant 1000 : i32
      %mul3A_71 = arith.muli %arg1, %mul3A_70 : i32
      %add3A_72 = arith.constant 375 : i32
      %add3A_73 = arith.addi %mul3A_71, %add3A_72 : i32
      "tpu.region"() ({
        %run_scoped3A = tpu.sem_alloc : memref<!tpu.dma_semaphore, #tpu.memory_space<semaphore_mem>>
        %dma_start3A = arith.constant 0 : i32
        %dma_start3A_90 = tpu.memref_slice %arg15[%add3A_73, %dma_start3A] : memref<10000x64xf32, #tpu.memory_space<vmem_shared>> -> memref<125x64xf32, #tpu.memory_space<vmem_shared>>
        %dma_start3A_91 = arith.constant 0 : i32
        %dma_start3A_92 = tpu.memref_slice %arg15[%add3A_73, %dma_start3A_91] : memref<10000x64xf32, #tpu.memory_space<vmem_shared>> -> memref<125x64xf32, #tpu.memory_space<vmem_shared>>
        tpu.enqueue_dma source(%arg13 : memref<125x64xf32, #tpu.memory_space<vmem>>) target(%dma_start3A_92 : memref<125x64xf32, #tpu.memory_space<vmem_shared>>) target_semaphore(%run_scoped3A : memref<!tpu.dma_semaphore, #tpu.memory_space<semaphore_mem>>)
        %dma_wait3A = arith.constant 0 : i32
        %dma_wait3A_93 = tpu.memref_slice %arg15[%add3A_73, %dma_wait3A] : memref<10000x64xf32, #tpu.memory_space<vmem_shared>> -> memref<125x64xf32, #tpu.memory_space<vmem_shared>>
        %dma_wait3A_94 = arith.constant 0 : i32
        %dma_wait3A_95 = tpu.memref_slice %arg15[%add3A_73, %dma_wait3A_94] : memref<10000x64xf32, #tpu.memory_space<vmem_shared>> -> memref<125x64xf32, #tpu.memory_space<vmem_shared>>
        tpu.wait_dma2 semaphore(%run_scoped3A : memref<!tpu.dma_semaphore, #tpu.memory_space<semaphore_mem>>) src(%arg13 : memref<125x64xf32, #tpu.memory_space<vmem>>) dst(%dma_wait3A_95 : memref<125x64xf32, #tpu.memory_space<vmem_shared>>)
        tpu.yield
      }) : () -> ()
      "tpu.region"() ({
        %run_scoped3A = tpu.sem_alloc : memref<!tpu.dma_semaphore, #tpu.memory_space<semaphore_mem>>
        %dma_start3A = arith.constant 0 : i32
        %dma_start3A_90 = tpu.memref_slice %arg16[%add3A_73, %dma_start3A] : memref<10000x16xf32, #tpu.memory_space<vmem_shared>> -> memref<125x16xf32, #tpu.memory_space<vmem_shared>>
        %dma_start3A_91 = arith.constant 0 : i32
        %dma_start3A_92 = tpu.memref_slice %arg16[%add3A_73, %dma_start3A_91] : memref<10000x16xf32, #tpu.memory_space<vmem_shared>> -> memref<125x16xf32, #tpu.memory_space<vmem_shared>>
        tpu.enqueue_dma source(%arg14 : memref<125x16xf32, #tpu.memory_space<vmem>>) target(%dma_start3A_92 : memref<125x16xf32, #tpu.memory_space<vmem_shared>>) target_semaphore(%run_scoped3A : memref<!tpu.dma_semaphore, #tpu.memory_space<semaphore_mem>>)
        %dma_wait3A = arith.constant 0 : i32
        %dma_wait3A_93 = tpu.memref_slice %arg16[%add3A_73, %dma_wait3A] : memref<10000x16xf32, #tpu.memory_space<vmem_shared>> -> memref<125x16xf32, #tpu.memory_space<vmem_shared>>
        %dma_wait3A_94 = arith.constant 0 : i32
        %dma_wait3A_95 = tpu.memref_slice %arg16[%add3A_73, %dma_wait3A_94] : memref<10000x16xf32, #tpu.memory_space<vmem_shared>> -> memref<125x16xf32, #tpu.memory_space<vmem_shared>>
        tpu.wait_dma2 semaphore(%run_scoped3A : memref<!tpu.dma_semaphore, #tpu.memory_space<semaphore_mem>>) src(%arg14 : memref<125x16xf32, #tpu.memory_space<vmem>>) dst(%dma_wait3A_95 : memref<125x16xf32, #tpu.memory_space<vmem_shared>>)
        tpu.yield
      }) : () -> ()
      %mul3A_74 = arith.constant 1000 : i32
      %mul3A_75 = arith.muli %arg1, %mul3A_74 : i32
      %add3A_76 = arith.constant 500 : i32
      %add3A_77 = arith.addi %mul3A_75, %add3A_76 : i32
      "tpu.region"() ({
        %run_scoped3A = tpu.sem_alloc : memref<!tpu.dma_semaphore, #tpu.memory_space<semaphore_mem>>
        %dma_start3A = arith.constant 0 : i32
        %dma_start3A_90 = tpu.memref_slice %arg15[%add3A_77, %dma_start3A] : memref<10000x64xf32, #tpu.memory_space<vmem_shared>> -> memref<125x64xf32, #tpu.memory_space<vmem_shared>>
        %dma_start3A_91 = arith.constant 0 : i32
        %dma_start3A_92 = tpu.memref_slice %arg15[%add3A_77, %dma_start3A_91] : memref<10000x64xf32, #tpu.memory_space<vmem_shared>> -> memref<125x64xf32, #tpu.memory_space<vmem_shared>>
        tpu.enqueue_dma source(%arg13 : memref<125x64xf32, #tpu.memory_space<vmem>>) target(%dma_start3A_92 : memref<125x64xf32, #tpu.memory_space<vmem_shared>>) target_semaphore(%run_scoped3A : memref<!tpu.dma_semaphore, #tpu.memory_space<semaphore_mem>>)
        %dma_wait3A = arith.constant 0 : i32
        %dma_wait3A_93 = tpu.memref_slice %arg15[%add3A_77, %dma_wait3A] : memref<10000x64xf32, #tpu.memory_space<vmem_shared>> -> memref<125x64xf32, #tpu.memory_space<vmem_shared>>
        %dma_wait3A_94 = arith.constant 0 : i32
        %dma_wait3A_95 = tpu.memref_slice %arg15[%add3A_77, %dma_wait3A_94] : memref<10000x64xf32, #tpu.memory_space<vmem_shared>> -> memref<125x64xf32, #tpu.memory_space<vmem_shared>>
        tpu.wait_dma2 semaphore(%run_scoped3A : memref<!tpu.dma_semaphore, #tpu.memory_space<semaphore_mem>>) src(%arg13 : memref<125x64xf32, #tpu.memory_space<vmem>>) dst(%dma_wait3A_95 : memref<125x64xf32, #tpu.memory_space<vmem_shared>>)
        tpu.yield
      }) : () -> ()
      "tpu.region"() ({
        %run_scoped3A = tpu.sem_alloc : memref<!tpu.dma_semaphore, #tpu.memory_space<semaphore_mem>>
        %dma_start3A = arith.constant 0 : i32
        %dma_start3A_90 = tpu.memref_slice %arg16[%add3A_77, %dma_start3A] : memref<10000x16xf32, #tpu.memory_space<vmem_shared>> -> memref<125x16xf32, #tpu.memory_space<vmem_shared>>
        %dma_start3A_91 = arith.constant 0 : i32
        %dma_start3A_92 = tpu.memref_slice %arg16[%add3A_77, %dma_start3A_91] : memref<10000x16xf32, #tpu.memory_space<vmem_shared>> -> memref<125x16xf32, #tpu.memory_space<vmem_shared>>
        tpu.enqueue_dma source(%arg14 : memref<125x16xf32, #tpu.memory_space<vmem>>) target(%dma_start3A_92 : memref<125x16xf32, #tpu.memory_space<vmem_shared>>) target_semaphore(%run_scoped3A : memref<!tpu.dma_semaphore, #tpu.memory_space<semaphore_mem>>)
        %dma_wait3A = arith.constant 0 : i32
        %dma_wait3A_93 = tpu.memref_slice %arg16[%add3A_77, %dma_wait3A] : memref<10000x16xf32, #tpu.memory_space<vmem_shared>> -> memref<125x16xf32, #tpu.memory_space<vmem_shared>>
        %dma_wait3A_94 = arith.constant 0 : i32
        %dma_wait3A_95 = tpu.memref_slice %arg16[%add3A_77, %dma_wait3A_94] : memref<10000x16xf32, #tpu.memory_space<vmem_shared>> -> memref<125x16xf32, #tpu.memory_space<vmem_shared>>
        tpu.wait_dma2 semaphore(%run_scoped3A : memref<!tpu.dma_semaphore, #tpu.memory_space<semaphore_mem>>) src(%arg14 : memref<125x16xf32, #tpu.memory_space<vmem>>) dst(%dma_wait3A_95 : memref<125x16xf32, #tpu.memory_space<vmem_shared>>)
        tpu.yield
      }) : () -> ()
      %mul3A_78 = arith.constant 1000 : i32
      %mul3A_79 = arith.muli %arg1, %mul3A_78 : i32
      %add3A_80 = arith.constant 625 : i32
      %add3A_81 = arith.addi %mul3A_79, %add3A_80 : i32
      "tpu.region"() ({
        %run_scoped3A = tpu.sem_alloc : memref<!tpu.dma_semaphore, #tpu.memory_space<semaphore_mem>>
        %dma_start3A = arith.constant 0 : i32
        %dma_start3A_90 = tpu.memref_slice %arg15[%add3A_81, %dma_start3A] : memref<10000x64xf32, #tpu.memory_space<vmem_shared>> -> memref<125x64xf32, #tpu.memory_space<vmem_shared>>
        %dma_start3A_91 = arith.constant 0 : i32
        %dma_start3A_92 = tpu.memref_slice %arg15[%add3A_81, %dma_start3A_91] : memref<10000x64xf32, #tpu.memory_space<vmem_shared>> -> memref<125x64xf32, #tpu.memory_space<vmem_shared>>
        tpu.enqueue_dma source(%arg13 : memref<125x64xf32, #tpu.memory_space<vmem>>) target(%dma_start3A_92 : memref<125x64xf32, #tpu.memory_space<vmem_shared>>) target_semaphore(%run_scoped3A : memref<!tpu.dma_semaphore, #tpu.memory_space<semaphore_mem>>)
        %dma_wait3A = arith.constant 0 : i32
        %dma_wait3A_93 = tpu.memref_slice %arg15[%add3A_81, %dma_wait3A] : memref<10000x64xf32, #tpu.memory_space<vmem_shared>> -> memref<125x64xf32, #tpu.memory_space<vmem_shared>>
        %dma_wait3A_94 = arith.constant 0 : i32
        %dma_wait3A_95 = tpu.memref_slice %arg15[%add3A_81, %dma_wait3A_94] : memref<10000x64xf32, #tpu.memory_space<vmem_shared>> -> memref<125x64xf32, #tpu.memory_space<vmem_shared>>
        tpu.wait_dma2 semaphore(%run_scoped3A : memref<!tpu.dma_semaphore, #tpu.memory_space<semaphore_mem>>) src(%arg13 : memref<125x64xf32, #tpu.memory_space<vmem>>) dst(%dma_wait3A_95 : memref<125x64xf32, #tpu.memory_space<vmem_shared>>)
        tpu.yield
      }) : () -> ()
      "tpu.region"() ({
        %run_scoped3A = tpu.sem_alloc : memref<!tpu.dma_semaphore, #tpu.memory_space<semaphore_mem>>
        %dma_start3A = arith.constant 0 : i32
        %dma_start3A_90 = tpu.memref_slice %arg16[%add3A_81, %dma_start3A] : memref<10000x16xf32, #tpu.memory_space<vmem_shared>> -> memref<125x16xf32, #tpu.memory_space<vmem_shared>>
        %dma_start3A_91 = arith.constant 0 : i32
        %dma_start3A_92 = tpu.memref_slice %arg16[%add3A_81, %dma_start3A_91] : memref<10000x16xf32, #tpu.memory_space<vmem_shared>> -> memref<125x16xf32, #tpu.memory_space<vmem_shared>>
        tpu.enqueue_dma source(%arg14 : memref<125x16xf32, #tpu.memory_space<vmem>>) target(%dma_start3A_92 : memref<125x16xf32, #tpu.memory_space<vmem_shared>>) target_semaphore(%run_scoped3A : memref<!tpu.dma_semaphore, #tpu.memory_space<semaphore_mem>>)
        %dma_wait3A = arith.constant 0 : i32
        %dma_wait3A_93 = tpu.memref_slice %arg16[%add3A_81, %dma_wait3A] : memref<10000x16xf32, #tpu.memory_space<vmem_shared>> -> memref<125x16xf32, #tpu.memory_space<vmem_shared>>
        %dma_wait3A_94 = arith.constant 0 : i32
        %dma_wait3A_95 = tpu.memref_slice %arg16[%add3A_81, %dma_wait3A_94] : memref<10000x16xf32, #tpu.memory_space<vmem_shared>> -> memref<125x16xf32, #tpu.memory_space<vmem_shared>>
        tpu.wait_dma2 semaphore(%run_scoped3A : memref<!tpu.dma_semaphore, #tpu.memory_space<semaphore_mem>>) src(%arg14 : memref<125x16xf32, #tpu.memory_space<vmem>>) dst(%dma_wait3A_95 : memref<125x16xf32, #tpu.memory_space<vmem_shared>>)
        tpu.yield
      }) : () -> ()
      %mul3A_82 = arith.constant 1000 : i32
      %mul3A_83 = arith.muli %arg1, %mul3A_82 : i32
      %add3A_84 = arith.constant 750 : i32
      %add3A_85 = arith.addi %mul3A_83, %add3A_84 : i32
      "tpu.region"() ({
        %run_scoped3A = tpu.sem_alloc : memref<!tpu.dma_semaphore, #tpu.memory_space<semaphore_mem>>
        %dma_start3A = arith.constant 0 : i32
        %dma_start3A_90 = tpu.memref_slice %arg15[%add3A_85, %dma_start3A] : memref<10000x64xf32, #tpu.memory_space<vmem_shared>> -> memref<125x64xf32, #tpu.memory_space<vmem_shared>>
        %dma_start3A_91 = arith.constant 0 : i32
        %dma_start3A_92 = tpu.memref_slice %arg15[%add3A_85, %dma_start3A_91] : memref<10000x64xf32, #tpu.memory_space<vmem_shared>> -> memref<125x64xf32, #tpu.memory_space<vmem_shared>>
        tpu.enqueue_dma source(%arg13 : memref<125x64xf32, #tpu.memory_space<vmem>>) target(%dma_start3A_92 : memref<125x64xf32, #tpu.memory_space<vmem_shared>>) target_semaphore(%run_scoped3A : memref<!tpu.dma_semaphore, #tpu.memory_space<semaphore_mem>>)
        %dma_wait3A = arith.constant 0 : i32
        %dma_wait3A_93 = tpu.memref_slice %arg15[%add3A_85, %dma_wait3A] : memref<10000x64xf32, #tpu.memory_space<vmem_shared>> -> memref<125x64xf32, #tpu.memory_space<vmem_shared>>
        %dma_wait3A_94 = arith.constant 0 : i32
        %dma_wait3A_95 = tpu.memref_slice %arg15[%add3A_85, %dma_wait3A_94] : memref<10000x64xf32, #tpu.memory_space<vmem_shared>> -> memref<125x64xf32, #tpu.memory_space<vmem_shared>>
        tpu.wait_dma2 semaphore(%run_scoped3A : memref<!tpu.dma_semaphore, #tpu.memory_space<semaphore_mem>>) src(%arg13 : memref<125x64xf32, #tpu.memory_space<vmem>>) dst(%dma_wait3A_95 : memref<125x64xf32, #tpu.memory_space<vmem_shared>>)
        tpu.yield
      }) : () -> ()
      "tpu.region"() ({
        %run_scoped3A = tpu.sem_alloc : memref<!tpu.dma_semaphore, #tpu.memory_space<semaphore_mem>>
        %dma_start3A = arith.constant 0 : i32
        %dma_start3A_90 = tpu.memref_slice %arg16[%add3A_85, %dma_start3A] : memref<10000x16xf32, #tpu.memory_space<vmem_shared>> -> memref<125x16xf32, #tpu.memory_space<vmem_shared>>
        %dma_start3A_91 = arith.constant 0 : i32
        %dma_start3A_92 = tpu.memref_slice %arg16[%add3A_85, %dma_start3A_91] : memref<10000x16xf32, #tpu.memory_space<vmem_shared>> -> memref<125x16xf32, #tpu.memory_space<vmem_shared>>
        tpu.enqueue_dma source(%arg14 : memref<125x16xf32, #tpu.memory_space<vmem>>) target(%dma_start3A_92 : memref<125x16xf32, #tpu.memory_space<vmem_shared>>) target_semaphore(%run_scoped3A : memref<!tpu.dma_semaphore, #tpu.memory_space<semaphore_mem>>)
        %dma_wait3A = arith.constant 0 : i32
        %dma_wait3A_93 = tpu.memref_slice %arg16[%add3A_85, %dma_wait3A] : memref<10000x16xf32, #tpu.memory_space<vmem_shared>> -> memref<125x16xf32, #tpu.memory_space<vmem_shared>>
        %dma_wait3A_94 = arith.constant 0 : i32
        %dma_wait3A_95 = tpu.memref_slice %arg16[%add3A_85, %dma_wait3A_94] : memref<10000x16xf32, #tpu.memory_space<vmem_shared>> -> memref<125x16xf32, #tpu.memory_space<vmem_shared>>
        tpu.wait_dma2 semaphore(%run_scoped3A : memref<!tpu.dma_semaphore, #tpu.memory_space<semaphore_mem>>) src(%arg14 : memref<125x16xf32, #tpu.memory_space<vmem>>) dst(%dma_wait3A_95 : memref<125x16xf32, #tpu.memory_space<vmem_shared>>)
        tpu.yield
      }) : () -> ()
      %mul3A_86 = arith.constant 1000 : i32
      %mul3A_87 = arith.muli %arg1, %mul3A_86 : i32
      %add3A_88 = arith.constant 875 : i32
      %add3A_89 = arith.addi %mul3A_87, %add3A_88 : i32
      "tpu.region"() ({
        %run_scoped3A = tpu.sem_alloc : memref<!tpu.dma_semaphore, #tpu.memory_space<semaphore_mem>>
        %dma_start3A = arith.constant 0 : i32
        %dma_start3A_90 = tpu.memref_slice %arg15[%add3A_89, %dma_start3A] : memref<10000x64xf32, #tpu.memory_space<vmem_shared>> -> memref<125x64xf32, #tpu.memory_space<vmem_shared>>
        %dma_start3A_91 = arith.constant 0 : i32
        %dma_start3A_92 = tpu.memref_slice %arg15[%add3A_89, %dma_start3A_91] : memref<10000x64xf32, #tpu.memory_space<vmem_shared>> -> memref<125x64xf32, #tpu.memory_space<vmem_shared>>
        tpu.enqueue_dma source(%arg13 : memref<125x64xf32, #tpu.memory_space<vmem>>) target(%dma_start3A_92 : memref<125x64xf32, #tpu.memory_space<vmem_shared>>) target_semaphore(%run_scoped3A : memref<!tpu.dma_semaphore, #tpu.memory_space<semaphore_mem>>)
        %dma_wait3A = arith.constant 0 : i32
        %dma_wait3A_93 = tpu.memref_slice %arg15[%add3A_89, %dma_wait3A] : memref<10000x64xf32, #tpu.memory_space<vmem_shared>> -> memref<125x64xf32, #tpu.memory_space<vmem_shared>>
        %dma_wait3A_94 = arith.constant 0 : i32
        %dma_wait3A_95 = tpu.memref_slice %arg15[%add3A_89, %dma_wait3A_94] : memref<10000x64xf32, #tpu.memory_space<vmem_shared>> -> memref<125x64xf32, #tpu.memory_space<vmem_shared>>
        tpu.wait_dma2 semaphore(%run_scoped3A : memref<!tpu.dma_semaphore, #tpu.memory_space<semaphore_mem>>) src(%arg13 : memref<125x64xf32, #tpu.memory_space<vmem>>) dst(%dma_wait3A_95 : memref<125x64xf32, #tpu.memory_space<vmem_shared>>)
        tpu.yield
      }) : () -> ()
      "tpu.region"() ({
        %run_scoped3A = tpu.sem_alloc : memref<!tpu.dma_semaphore, #tpu.memory_space<semaphore_mem>>
        %dma_start3A = arith.constant 0 : i32
        %dma_start3A_90 = tpu.memref_slice %arg16[%add3A_89, %dma_start3A] : memref<10000x16xf32, #tpu.memory_space<vmem_shared>> -> memref<125x16xf32, #tpu.memory_space<vmem_shared>>
        %dma_start3A_91 = arith.constant 0 : i32
        %dma_start3A_92 = tpu.memref_slice %arg16[%add3A_89, %dma_start3A_91] : memref<10000x16xf32, #tpu.memory_space<vmem_shared>> -> memref<125x16xf32, #tpu.memory_space<vmem_shared>>
        tpu.enqueue_dma source(%arg14 : memref<125x16xf32, #tpu.memory_space<vmem>>) target(%dma_start3A_92 : memref<125x16xf32, #tpu.memory_space<vmem_shared>>) target_semaphore(%run_scoped3A : memref<!tpu.dma_semaphore, #tpu.memory_space<semaphore_mem>>)
        %dma_wait3A = arith.constant 0 : i32
        %dma_wait3A_93 = tpu.memref_slice %arg16[%add3A_89, %dma_wait3A] : memref<10000x16xf32, #tpu.memory_space<vmem_shared>> -> memref<125x16xf32, #tpu.memory_space<vmem_shared>>
        %dma_wait3A_94 = arith.constant 0 : i32
        %dma_wait3A_95 = tpu.memref_slice %arg16[%add3A_89, %dma_wait3A_94] : memref<10000x16xf32, #tpu.memory_space<vmem_shared>> -> memref<125x16xf32, #tpu.memory_space<vmem_shared>>
        tpu.wait_dma2 semaphore(%run_scoped3A : memref<!tpu.dma_semaphore, #tpu.memory_space<semaphore_mem>>) src(%arg14 : memref<125x16xf32, #tpu.memory_space<vmem>>) dst(%dma_wait3A_95 : memref<125x16xf32, #tpu.memory_space<vmem_shared>>)
        tpu.yield
      }) : () -> ()
    } else {
    }
    %barrier3A = arith.constant 0 : index
    tpu.barrier barrier_id(%barrier3A)
    %mul3A = arith.constant 156 : i32
    %mul3A_3 = arith.muli %arg1, %mul3A : i32
    %min3A = arith.constant 4 : i32
    %min3A_4 = arith.minsi %arg1, %min3A : i32
    %add3A = arith.addi %mul3A_3, %min3A_4 : i32
    %lt3A_5 = arith.constant 4 : i32
    %lt3A_6 = arith.cmpi slt, %arg1, %lt3A_5 : i32
    %convert_element_type3A_7 = arith.extui %lt3A_6 : i1 to i32
    %add3A_8 = arith.constant 156 : i32
    %add3A_9 = arith.addi %add3A_8, %convert_element_type3A_7 : i32
    "tpu.region"() ({
      %run_scoped3A = tpu.sem_alloc : memref<!tpu.dma_semaphore, #tpu.memory_space<semaphore_mem>>
      %dma_start3A = arith.constant 0 : i32
      %dma_start3A_52 = tpu.memref_slice %arg4[%add3A, %dma_start3A] : memref<2504x128xi32, #tpu.memory_space<hbm>> -> memref<157x128xi32, #tpu.memory_space<hbm>>
      %dma_start3A_53 = arith.constant 0 : i32
      %dma_start3A_54 = tpu.memref_slice %arg4[%add3A, %dma_start3A_53] : memref<2504x128xi32, #tpu.memory_space<hbm>> -> memref<157x128xi32, #tpu.memory_space<hbm>>
      tpu.enqueue_dma source(%dma_start3A_54 : memref<157x128xi32, #tpu.memory_space<hbm>>) target(%arg9 : memref<157x128xi32, #tpu.memory_space<vmem>>) target_semaphore(%run_scoped3A : memref<!tpu.dma_semaphore, #tpu.memory_space<semaphore_mem>>)
      %dma_wait3A = arith.constant 0 : i32
      %dma_wait3A_55 = tpu.memref_slice %arg4[%add3A, %dma_wait3A] : memref<2504x128xi32, #tpu.memory_space<hbm>> -> memref<157x128xi32, #tpu.memory_space<hbm>>
      %dma_wait3A_56 = arith.constant 0 : i32
      %dma_wait3A_57 = tpu.memref_slice %arg4[%add3A, %dma_wait3A_56] : memref<2504x128xi32, #tpu.memory_space<hbm>> -> memref<157x128xi32, #tpu.memory_space<hbm>>
      tpu.wait_dma2 semaphore(%run_scoped3A : memref<!tpu.dma_semaphore, #tpu.memory_space<semaphore_mem>>) src(%dma_wait3A_57 : memref<157x128xi32, #tpu.memory_space<hbm>>) dst(%arg9 : memref<157x128xi32, #tpu.memory_space<vmem>>)
      tpu.yield
    }) : () -> ()
    "tpu.region"() ({
      %run_scoped3A = tpu.sem_alloc : memref<!tpu.dma_semaphore, #tpu.memory_space<semaphore_mem>>
      %dma_start3A = arith.constant 0 : i32
      %dma_start3A_52 = tpu.memref_slice %arg5[%add3A, %dma_start3A] : memref<2504x128xi32, #tpu.memory_space<hbm>> -> memref<157x128xi32, #tpu.memory_space<hbm>>
      %dma_start3A_53 = arith.constant 0 : i32
      %dma_start3A_54 = tpu.memref_slice %arg5[%add3A, %dma_start3A_53] : memref<2504x128xi32, #tpu.memory_space<hbm>> -> memref<157x128xi32, #tpu.memory_space<hbm>>
      tpu.enqueue_dma source(%dma_start3A_54 : memref<157x128xi32, #tpu.memory_space<hbm>>) target(%arg10 : memref<157x128xi32, #tpu.memory_space<vmem>>) target_semaphore(%run_scoped3A : memref<!tpu.dma_semaphore, #tpu.memory_space<semaphore_mem>>)
      %dma_wait3A = arith.constant 0 : i32
      %dma_wait3A_55 = tpu.memref_slice %arg5[%add3A, %dma_wait3A] : memref<2504x128xi32, #tpu.memory_space<hbm>> -> memref<157x128xi32, #tpu.memory_space<hbm>>
      %dma_wait3A_56 = arith.constant 0 : i32
      %dma_wait3A_57 = tpu.memref_slice %arg5[%add3A, %dma_wait3A_56] : memref<2504x128xi32, #tpu.memory_space<hbm>> -> memref<157x128xi32, #tpu.memory_space<hbm>>
      tpu.wait_dma2 semaphore(%run_scoped3A : memref<!tpu.dma_semaphore, #tpu.memory_space<semaphore_mem>>) src(%dma_wait3A_57 : memref<157x128xi32, #tpu.memory_space<hbm>>) dst(%arg10 : memref<157x128xi32, #tpu.memory_space<vmem>>)
      tpu.yield
    }) : () -> ()
    %eq3A = arith.constant 0 : i32
    %eq3A_10 = arith.cmpi eq, %arg0, %eq3A : i32
    %convert_element_type3A_11 = arith.extui %eq3A_10 : i1 to i32
    %cond3A_12 = arith.constant 0 : i32
    %cond3A_13 = arith.cmpi ne, %convert_element_type3A_11, %cond3A_12 : i32
    scf.if %cond3A_13 {
      %dma_start3A = arith.constant 0 : i32
      %dma_start3A_52 = arith.constant 0 : i32
      %dma_start3A_53 = arith.constant 0 : i32
      %dma_start3A_54 = arith.constant 0 : i32
      %dma_start3A_55 = tpu.memref_slice %arg11[%dma_start3A_52, %dma_start3A_53, %dma_start3A_54] : memref<2x128x64xf32, #tpu.memory_space<vmem>> -> memref<1x128x64xf32, #tpu.memory_space<vmem>>
      %dma_start3A_56 = tpu.memref_squeeze %dma_start3A_55 : memref<1x128x64xf32, #tpu.memory_space<vmem>> -> memref<128x64xf32, #tpu.memory_space<vmem>>
      %dma_start3A_57 = arith.constant 0 : i32
      %dma_start3A_58 = tpu.memref_slice %arg9[%dma_start3A, %dma_start3A_57] : memref<157x128xi32, #tpu.memory_space<vmem>> -> memref<1x128xi32, #tpu.memory_space<vmem>>
      %dma_start3A_59 = tpu.memref_squeeze %dma_start3A_58 : memref<1x128xi32, #tpu.memory_space<vmem>> -> memref<128xi32, #tpu.memory_space<vmem>>
      %dma_start3A_60 = arith.constant 0 : i32
      %dma_start3A_61 = arith.constant 0 : i32
      %dma_start3A_62 = tpu.memref_slice %arg2[%dma_start3A_60, %dma_start3A_61] : memref<10000x64xf32, #tpu.memory_space<hbm>> -> memref<10000x64xf32, #tpu.memory_space<hbm>>
      tpu.enqueue_indirect_dma source(%dma_start3A_62 : memref<10000x64xf32, #tpu.memory_space<hbm>>) target(%dma_start3A_56 : memref<128x64xf32, #tpu.memory_space<vmem>>) offsets(%dma_start3A_59 : memref<128xi32, #tpu.memory_space<vmem>>) semaphore(%arg17 : memref<!tpu.dma_semaphore, #tpu.memory_space<semaphore_mem>>)
    } else {
    }
    %eq3A_14 = arith.constant 1 : i32
    %eq3A_15 = arith.cmpi eq, %arg0, %eq3A_14 : i32
    %convert_element_type3A_16 = arith.extui %eq3A_15 : i1 to i32
    %cond3A_17 = arith.constant 0 : i32
    %cond3A_18 = arith.cmpi ne, %convert_element_type3A_16, %cond3A_17 : i32
    scf.if %cond3A_18 {
      %dma_start3A = arith.constant 0 : i32
      %dma_start3A_52 = arith.constant 0 : i32
      %dma_start3A_53 = arith.constant 0 : i32
      %dma_start3A_54 = arith.constant 0 : i32
      %dma_start3A_55 = tpu.memref_slice %arg11[%dma_start3A_52, %dma_start3A_53, %dma_start3A_54] : memref<2x128x64xf32, #tpu.memory_space<vmem>> -> memref<1x128x64xf32, #tpu.memory_space<vmem>>
      %dma_start3A_56 = tpu.memref_squeeze %dma_start3A_55 : memref<1x128x64xf32, #tpu.memory_space<vmem>> -> memref<128x64xf32, #tpu.memory_space<vmem>>
      %dma_start3A_57 = arith.constant 0 : i32
      %dma_start3A_58 = tpu.memref_slice %arg9[%dma_start3A, %dma_start3A_57] : memref<157x128xi32, #tpu.memory_space<vmem>> -> memref<1x128xi32, #tpu.memory_space<vmem>>
      %dma_start3A_59 = tpu.memref_squeeze %dma_start3A_58 : memref<1x128xi32, #tpu.memory_space<vmem>> -> memref<128xi32, #tpu.memory_space<vmem>>
      %dma_start3A_60 = arith.constant 0 : i32
      %dma_start3A_61 = arith.constant 0 : i32
      %dma_start3A_62 = tpu.memref_slice %arg3[%dma_start3A_60, %dma_start3A_61] : memref<10000x64xf32, #tpu.memory_space<hbm>> -> memref<10000x64xf32, #tpu.memory_space<hbm>>
      tpu.enqueue_indirect_dma source(%dma_start3A_62 : memref<10000x64xf32, #tpu.memory_space<hbm>>) target(%dma_start3A_56 : memref<128x64xf32, #tpu.memory_space<vmem>>) offsets(%dma_start3A_59 : memref<128xi32, #tpu.memory_space<vmem>>) semaphore(%arg17 : memref<!tpu.dma_semaphore, #tpu.memory_space<semaphore_mem>>)
    } else {
    }
    %add3A_19 = arith.constant 0 : i32
    %add3A_20 = arith.addi %add3A, %add3A_19 : i32
    %jit3A = arith.constant 1250 : i32
    %div3A = arith.divsi %add3A_20, %jit3A : i32
    %sign3A = arith.constant 0 : i32
    %sign3A_21 = arith.cmpi sgt, %add3A_20, %sign3A : i32
    %sign3A_22 = arith.extui %sign3A_21 : i1 to i32
    %sign3A_23 = arith.constant 0 : i32
    %sign3A_24 = arith.cmpi slt, %add3A_20, %sign3A_23 : i32
    %sign3A_25 = arith.extui %sign3A_24 : i1 to i32
    %sign3A_26 = arith.subi %sign3A_22, %sign3A_25 : i32
    %sign3A_27 = arith.constant 0 : i32
    %sign3A_28 = arith.cmpi sgt, %jit3A, %sign3A_27 : i32
    %sign3A_29 = arith.extui %sign3A_28 : i1 to i32
    %sign3A_30 = arith.constant 0 : i32
    %sign3A_31 = arith.cmpi slt, %jit3A, %sign3A_30 : i32
    %sign3A_32 = arith.extui %sign3A_31 : i1 to i32
    %sign3A_33 = arith.subi %sign3A_29, %sign3A_32 : i32
    %ne3A = arith.cmpi ne, %sign3A_26, %sign3A_33 : i32
    %rem3A = arith.remsi %add3A_20, %jit3A : i32
    %ne3A_34 = arith.constant 0 : i32
    %ne3A_35 = arith.cmpi ne, %rem3A, %ne3A_34 : i32
    %and3A = arith.andi %ne3A, %ne3A_35 : i1
    %sub3A = arith.constant 1 : i32
    %sub3A_36 = arith.subi %div3A, %sub3A : i32
    %select_n3A = arith.select %and3A, %sub3A_36, %div3A : i32
    %eq3A_37 = arith.cmpi eq, %select_n3A, %arg0 : i32
    %convert_element_type3A_38 = arith.extui %eq3A_37 : i1 to i32
    %cond3A_39 = arith.constant 0 : i32
    %cond3A_40 = arith.cmpi ne, %convert_element_type3A_38, %cond3A_39 : i32
    scf.if %cond3A_40 {
      %add3A_52 = arith.constant 0 : i32
      %add3A_53 = arith.addi %add3A, %add3A_52 : i32
      %mul3A_54 = arith.constant 128 : i32
      %mul3A_55 = arith.muli %add3A_53, %mul3A_54 : i32
      %dma_start3A = arith.constant 0 : i32
      %dma_start3A_56 = arith.constant 0 : i32
      %dma_start3A_57 = arith.constant 0 : i32
      %dma_start3A_58 = tpu.memref_slice %arg12[%dma_start3A, %dma_start3A_56, %dma_start3A_57] : memref<2x128x16xf32, #tpu.memory_space<vmem>> -> memref<1x128x16xf32, #tpu.memory_space<vmem>>
      %dma_start3A_59 = tpu.memref_squeeze %dma_start3A_58 : memref<1x128x16xf32, #tpu.memory_space<vmem>> -> memref<128x16xf32, #tpu.memory_space<vmem>>
      %dma_start3A_60 = arith.constant 0 : i32
      %dma_start3A_61 = tpu.memref_slice %arg6[%mul3A_55, %dma_start3A_60] : memref<320000x16xf32, #tpu.memory_space<hbm>> -> memref<128x16xf32, #tpu.memory_space<hbm>>
      %dma_start3A_62 = arith.constant 0 : i32
      %dma_start3A_63 = arith.constant 0 : i32
      %dma_start3A_64 = tpu.memref_slice %arg12[%dma_start3A, %dma_start3A_62, %dma_start3A_63] : memref<2x128x16xf32, #tpu.memory_space<vmem>> -> memref<1x128x16xf32, #tpu.memory_space<vmem>>
      %dma_start3A_65 = tpu.memref_squeeze %dma_start3A_64 : memref<1x128x16xf32, #tpu.memory_space<vmem>> -> memref<128x16xf32, #tpu.memory_space<vmem>>
      %dma_start3A_66 = arith.constant 0 : i32
      %dma_start3A_67 = tpu.memref_slice %arg6[%mul3A_55, %dma_start3A_66] : memref<320000x16xf32, #tpu.memory_space<hbm>> -> memref<128x16xf32, #tpu.memory_space<hbm>>
      tpu.enqueue_dma source(%dma_start3A_67 : memref<128x16xf32, #tpu.memory_space<hbm>>) target(%dma_start3A_65 : memref<128x16xf32, #tpu.memory_space<vmem>>) target_semaphore(%arg21 : memref<!tpu.dma_semaphore, #tpu.memory_space<semaphore_mem>>)
    } else {
    }
    %scan3A = arith.constant 0 : i32
    %scan3A_41 = arith.constant 0 : i32
    %scan3A_42 = arith.constant 79 : i32
    %scan3A_43 = arith.addi %scan3A_41, %scan3A_42 : i32
    %scan3A_44 = arith.constant 1 : i32
    scf.for %scan3A_52 = %scan3A_41 to %scan3A_43 step %scan3A_44  : i32 {
      %mul3A_53 = arith.constant 2 : i32
      %mul3A_54 = arith.muli %mul3A_53, %scan3A_52 : i32
      %add3A_55 = arith.constant 0 : i32
      %add3A_56 = arith.addi %mul3A_54, %add3A_55 : i32
      %ge3A = arith.constant 1 : i32
      %ge3A_57 = arith.cmpi sge, %add3A_56, %ge3A : i32
      %sub3A_58 = arith.constant 1 : i32
      %sub3A_59 = arith.subi %add3A_56, %sub3A_58 : i32
      %lt3A_60 = arith.cmpi slt, %sub3A_59, %add3A_9 : i32
      %and3A_61 = arith.andi %ge3A_57, %lt3A_60 : i1
      %convert_element_type3A_62 = arith.extui %and3A_61 : i1 to i32
      %cond3A_63 = arith.constant 0 : i32
      %cond3A_64 = arith.cmpi ne, %convert_element_type3A_62, %cond3A_63 : i32
      scf.if %cond3A_64 {
        %sub3A_160 = arith.constant 1 : i32
        %sub3A_161 = arith.subi %add3A_56, %sub3A_160 : i32
        %dma_wait3A = arith.constant 1 : i32
        %dma_wait3A_162 = arith.constant 0 : i32
        %dma_wait3A_163 = arith.constant 0 : i32
        %dma_wait3A_164 = tpu.memref_slice %arg11[%dma_wait3A, %dma_wait3A_162, %dma_wait3A_163] : memref<2x128x64xf32, #tpu.memory_space<vmem>> -> memref<1x128x64xf32, #tpu.memory_space<vmem>>
        %dma_wait3A_165 = tpu.memref_squeeze %dma_wait3A_164 : memref<1x128x64xf32, #tpu.memory_space<vmem>> -> memref<128x64xf32, #tpu.memory_space<vmem>>
        %dma_wait3A_166 = arith.constant 0 : i32
        %dma_wait3A_167 = tpu.memref_slice %arg10[%sub3A_161, %dma_wait3A_166] : memref<157x128xi32, #tpu.memory_space<vmem>> -> memref<1x128xi32, #tpu.memory_space<vmem>>
        %dma_wait3A_168 = tpu.memref_squeeze %dma_wait3A_167 : memref<1x128xi32, #tpu.memory_space<vmem>> -> memref<128xi32, #tpu.memory_space<vmem>>
        %dma_wait3A_169 = arith.constant 0 : i32
        %dma_wait3A_170 = arith.constant 0 : i32
        %dma_wait3A_171 = tpu.memref_slice %arg15[%dma_wait3A_169, %dma_wait3A_170] : memref<10000x64xf32, #tpu.memory_space<vmem_shared>> -> memref<10000x64xf32, #tpu.memory_space<vmem_shared>>
        tpu.wait_indirect_dma semaphore(%arg20 : memref<!tpu.dma_semaphore, #tpu.memory_space<semaphore_mem>>) src(%dma_wait3A_165 : memref<128x64xf32, #tpu.memory_space<vmem>>) dst(%dma_wait3A_171 : memref<10000x64xf32, #tpu.memory_space<vmem_shared>>)
        %sub3A_172 = arith.constant 1 : i32
        %sub3A_173 = arith.subi %add3A_56, %sub3A_172 : i32
        %add3A_174 = arith.addi %add3A, %sub3A_173 : i32
        %jit3A_175 = arith.constant 1250 : i32
        %div3A_176 = arith.divsi %add3A_174, %jit3A_175 : i32
        %sign3A_177 = arith.constant 0 : i32
        %sign3A_178 = arith.cmpi sgt, %add3A_174, %sign3A_177 : i32
        %sign3A_179 = arith.extui %sign3A_178 : i1 to i32
        %sign3A_180 = arith.constant 0 : i32
        %sign3A_181 = arith.cmpi slt, %add3A_174, %sign3A_180 : i32
        %sign3A_182 = arith.extui %sign3A_181 : i1 to i32
        %sign3A_183 = arith.subi %sign3A_179, %sign3A_182 : i32
        %sign3A_184 = arith.constant 0 : i32
        %sign3A_185 = arith.cmpi sgt, %jit3A_175, %sign3A_184 : i32
        %sign3A_186 = arith.extui %sign3A_185 : i1 to i32
        %sign3A_187 = arith.constant 0 : i32
        %sign3A_188 = arith.cmpi slt, %jit3A_175, %sign3A_187 : i32
        %sign3A_189 = arith.extui %sign3A_188 : i1 to i32
        %sign3A_190 = arith.subi %sign3A_186, %sign3A_189 : i32
        %ne3A_191 = arith.cmpi ne, %sign3A_183, %sign3A_190 : i32
        %rem3A_192 = arith.remsi %add3A_174, %jit3A_175 : i32
        %ne3A_193 = arith.constant 0 : i32
        %ne3A_194 = arith.cmpi ne, %rem3A_192, %ne3A_193 : i32
        %and3A_195 = arith.andi %ne3A_191, %ne3A_194 : i1
        %sub3A_196 = arith.constant 1 : i32
        %sub3A_197 = arith.subi %div3A_176, %sub3A_196 : i32
        %select_n3A_198 = arith.select %and3A_195, %sub3A_197, %div3A_176 : i32
        %eq3A_199 = arith.cmpi eq, %select_n3A_198, %arg0 : i32
        %convert_element_type3A_200 = arith.extui %eq3A_199 : i1 to i32
        %cond3A_201 = arith.constant 0 : i32
        %cond3A_202 = arith.cmpi ne, %convert_element_type3A_200, %cond3A_201 : i32
        scf.if %cond3A_202 {
          %sub3A_203 = arith.constant 1 : i32
          %sub3A_204 = arith.subi %add3A_56, %sub3A_203 : i32
          %dma_wait3A_205 = arith.constant 1 : i32
          %dma_wait3A_206 = arith.constant 0 : i32
          %dma_wait3A_207 = arith.constant 0 : i32
          %dma_wait3A_208 = tpu.memref_slice %arg12[%dma_wait3A_205, %dma_wait3A_206, %dma_wait3A_207] : memref<2x128x16xf32, #tpu.memory_space<vmem>> -> memref<1x128x16xf32, #tpu.memory_space<vmem>>
          %dma_wait3A_209 = tpu.memref_squeeze %dma_wait3A_208 : memref<1x128x16xf32, #tpu.memory_space<vmem>> -> memref<128x16xf32, #tpu.memory_space<vmem>>
          %dma_wait3A_210 = arith.constant 0 : i32
          %dma_wait3A_211 = tpu.memref_slice %arg10[%sub3A_204, %dma_wait3A_210] : memref<157x128xi32, #tpu.memory_space<vmem>> -> memref<1x128xi32, #tpu.memory_space<vmem>>
          %dma_wait3A_212 = tpu.memref_squeeze %dma_wait3A_211 : memref<1x128xi32, #tpu.memory_space<vmem>> -> memref<128xi32, #tpu.memory_space<vmem>>
          %dma_wait3A_213 = arith.constant 0 : i32
          %dma_wait3A_214 = arith.constant 0 : i32
          %dma_wait3A_215 = tpu.memref_slice %arg16[%dma_wait3A_213, %dma_wait3A_214] : memref<10000x16xf32, #tpu.memory_space<vmem_shared>> -> memref<10000x16xf32, #tpu.memory_space<vmem_shared>>
          tpu.wait_indirect_dma semaphore(%arg24 : memref<!tpu.dma_semaphore, #tpu.memory_space<semaphore_mem>>) src(%dma_wait3A_209 : memref<128x16xf32, #tpu.memory_space<vmem>>) dst(%dma_wait3A_215 : memref<10000x16xf32, #tpu.memory_space<vmem_shared>>)
        } else {
        }
      } else {
      }
      %add3A_65 = arith.constant 1 : i32
      %add3A_66 = arith.addi %add3A_56, %add3A_65 : i32
      %lt3A_67 = arith.cmpi slt, %add3A_66, %add3A_9 : i32
      %convert_element_type3A_68 = arith.extui %lt3A_67 : i1 to i32
      %cond3A_69 = arith.constant 0 : i32
      %cond3A_70 = arith.cmpi ne, %convert_element_type3A_68, %cond3A_69 : i32
      scf.if %cond3A_70 {
        %add3A_160 = arith.constant 1 : i32
        %add3A_161 = arith.addi %add3A_56, %add3A_160 : i32
        %eq3A_162 = arith.constant 0 : i32
        %eq3A_163 = arith.cmpi eq, %arg0, %eq3A_162 : i32
        %convert_element_type3A_164 = arith.extui %eq3A_163 : i1 to i32
        %cond3A_165 = arith.constant 0 : i32
        %cond3A_166 = arith.cmpi ne, %convert_element_type3A_164, %cond3A_165 : i32
        scf.if %cond3A_166 {
          %dma_start3A = arith.constant 1 : i32
          %dma_start3A_203 = arith.constant 0 : i32
          %dma_start3A_204 = arith.constant 0 : i32
          %dma_start3A_205 = tpu.memref_slice %arg11[%dma_start3A, %dma_start3A_203, %dma_start3A_204] : memref<2x128x64xf32, #tpu.memory_space<vmem>> -> memref<1x128x64xf32, #tpu.memory_space<vmem>>
          %dma_start3A_206 = tpu.memref_squeeze %dma_start3A_205 : memref<1x128x64xf32, #tpu.memory_space<vmem>> -> memref<128x64xf32, #tpu.memory_space<vmem>>
          %dma_start3A_207 = arith.constant 0 : i32
          %dma_start3A_208 = tpu.memref_slice %arg9[%add3A_161, %dma_start3A_207] : memref<157x128xi32, #tpu.memory_space<vmem>> -> memref<1x128xi32, #tpu.memory_space<vmem>>
          %dma_start3A_209 = tpu.memref_squeeze %dma_start3A_208 : memref<1x128xi32, #tpu.memory_space<vmem>> -> memref<128xi32, #tpu.memory_space<vmem>>
          %dma_start3A_210 = arith.constant 0 : i32
          %dma_start3A_211 = arith.constant 0 : i32
          %dma_start3A_212 = tpu.memref_slice %arg2[%dma_start3A_210, %dma_start3A_211] : memref<10000x64xf32, #tpu.memory_space<hbm>> -> memref<10000x64xf32, #tpu.memory_space<hbm>>
          tpu.enqueue_indirect_dma source(%dma_start3A_212 : memref<10000x64xf32, #tpu.memory_space<hbm>>) target(%dma_start3A_206 : memref<128x64xf32, #tpu.memory_space<vmem>>) offsets(%dma_start3A_209 : memref<128xi32, #tpu.memory_space<vmem>>) semaphore(%arg18 : memref<!tpu.dma_semaphore, #tpu.memory_space<semaphore_mem>>)
        } else {
        }
        %eq3A_167 = arith.constant 1 : i32
        %eq3A_168 = arith.cmpi eq, %arg0, %eq3A_167 : i32
        %convert_element_type3A_169 = arith.extui %eq3A_168 : i1 to i32
        %cond3A_170 = arith.constant 0 : i32
        %cond3A_171 = arith.cmpi ne, %convert_element_type3A_169, %cond3A_170 : i32
        scf.if %cond3A_171 {
          %dma_start3A = arith.constant 1 : i32
          %dma_start3A_203 = arith.constant 0 : i32
          %dma_start3A_204 = arith.constant 0 : i32
          %dma_start3A_205 = tpu.memref_slice %arg11[%dma_start3A, %dma_start3A_203, %dma_start3A_204] : memref<2x128x64xf32, #tpu.memory_space<vmem>> -> memref<1x128x64xf32, #tpu.memory_space<vmem>>
          %dma_start3A_206 = tpu.memref_squeeze %dma_start3A_205 : memref<1x128x64xf32, #tpu.memory_space<vmem>> -> memref<128x64xf32, #tpu.memory_space<vmem>>
          %dma_start3A_207 = arith.constant 0 : i32
          %dma_start3A_208 = tpu.memref_slice %arg9[%add3A_161, %dma_start3A_207] : memref<157x128xi32, #tpu.memory_space<vmem>> -> memref<1x128xi32, #tpu.memory_space<vmem>>
          %dma_start3A_209 = tpu.memref_squeeze %dma_start3A_208 : memref<1x128xi32, #tpu.memory_space<vmem>> -> memref<128xi32, #tpu.memory_space<vmem>>
          %dma_start3A_210 = arith.constant 0 : i32
          %dma_start3A_211 = arith.constant 0 : i32
          %dma_start3A_212 = tpu.memref_slice %arg3[%dma_start3A_210, %dma_start3A_211] : memref<10000x64xf32, #tpu.memory_space<hbm>> -> memref<10000x64xf32, #tpu.memory_space<hbm>>
          tpu.enqueue_indirect_dma source(%dma_start3A_212 : memref<10000x64xf32, #tpu.memory_space<hbm>>) target(%dma_start3A_206 : memref<128x64xf32, #tpu.memory_space<vmem>>) offsets(%dma_start3A_209 : memref<128xi32, #tpu.memory_space<vmem>>) semaphore(%arg18 : memref<!tpu.dma_semaphore, #tpu.memory_space<semaphore_mem>>)
        } else {
        }
        %add3A_172 = arith.constant 1 : i32
        %add3A_173 = arith.addi %add3A_56, %add3A_172 : i32
        %add3A_174 = arith.addi %add3A, %add3A_173 : i32
        %jit3A_175 = arith.constant 1250 : i32
        %div3A_176 = arith.divsi %add3A_174, %jit3A_175 : i32
        %sign3A_177 = arith.constant 0 : i32
        %sign3A_178 = arith.cmpi sgt, %add3A_174, %sign3A_177 : i32
        %sign3A_179 = arith.extui %sign3A_178 : i1 to i32
        %sign3A_180 = arith.constant 0 : i32
        %sign3A_181 = arith.cmpi slt, %add3A_174, %sign3A_180 : i32
        %sign3A_182 = arith.extui %sign3A_181 : i1 to i32
        %sign3A_183 = arith.subi %sign3A_179, %sign3A_182 : i32
        %sign3A_184 = arith.constant 0 : i32
        %sign3A_185 = arith.cmpi sgt, %jit3A_175, %sign3A_184 : i32
        %sign3A_186 = arith.extui %sign3A_185 : i1 to i32
        %sign3A_187 = arith.constant 0 : i32
        %sign3A_188 = arith.cmpi slt, %jit3A_175, %sign3A_187 : i32
        %sign3A_189 = arith.extui %sign3A_188 : i1 to i32
        %sign3A_190 = arith.subi %sign3A_186, %sign3A_189 : i32
        %ne3A_191 = arith.cmpi ne, %sign3A_183, %sign3A_190 : i32
        %rem3A_192 = arith.remsi %add3A_174, %jit3A_175 : i32
        %ne3A_193 = arith.constant 0 : i32
        %ne3A_194 = arith.cmpi ne, %rem3A_192, %ne3A_193 : i32
        %and3A_195 = arith.andi %ne3A_191, %ne3A_194 : i1
        %sub3A_196 = arith.constant 1 : i32
        %sub3A_197 = arith.subi %div3A_176, %sub3A_196 : i32
        %select_n3A_198 = arith.select %and3A_195, %sub3A_197, %div3A_176 : i32
        %eq3A_199 = arith.cmpi eq, %select_n3A_198, %arg0 : i32
        %convert_element_type3A_200 = arith.extui %eq3A_199 : i1 to i32
        %cond3A_201 = arith.constant 0 : i32
        %cond3A_202 = arith.cmpi ne, %convert_element_type3A_200, %cond3A_201 : i32
        scf.if %cond3A_202 {
          %add3A_203 = arith.addi %add3A, %add3A_173 : i32
          %mul3A_204 = arith.constant 128 : i32
          %mul3A_205 = arith.muli %add3A_203, %mul3A_204 : i32
          %dma_start3A = arith.constant 1 : i32
          %dma_start3A_206 = arith.constant 0 : i32
          %dma_start3A_207 = arith.constant 0 : i32
          %dma_start3A_208 = tpu.memref_slice %arg12[%dma_start3A, %dma_start3A_206, %dma_start3A_207] : memref<2x128x16xf32, #tpu.memory_space<vmem>> -> memref<1x128x16xf32, #tpu.memory_space<vmem>>
          %dma_start3A_209 = tpu.memref_squeeze %dma_start3A_208 : memref<1x128x16xf32, #tpu.memory_space<vmem>> -> memref<128x16xf32, #tpu.memory_space<vmem>>
          %dma_start3A_210 = arith.constant 0 : i32
          %dma_start3A_211 = tpu.memref_slice %arg6[%mul3A_205, %dma_start3A_210] : memref<320000x16xf32, #tpu.memory_space<hbm>> -> memref<128x16xf32, #tpu.memory_space<hbm>>
          %dma_start3A_212 = arith.constant 0 : i32
          %dma_start3A_213 = arith.constant 0 : i32
          %dma_start3A_214 = tpu.memref_slice %arg12[%dma_start3A, %dma_start3A_212, %dma_start3A_213] : memref<2x128x16xf32, #tpu.memory_space<vmem>> -> memref<1x128x16xf32, #tpu.memory_space<vmem>>
          %dma_start3A_215 = tpu.memref_squeeze %dma_start3A_214 : memref<1x128x16xf32, #tpu.memory_space<vmem>> -> memref<128x16xf32, #tpu.memory_space<vmem>>
          %dma_start3A_216 = arith.constant 0 : i32
          %dma_start3A_217 = tpu.memref_slice %arg6[%mul3A_205, %dma_start3A_216] : memref<320000x16xf32, #tpu.memory_space<hbm>> -> memref<128x16xf32, #tpu.memory_space<hbm>>
          tpu.enqueue_dma source(%dma_start3A_217 : memref<128x16xf32, #tpu.memory_space<hbm>>) target(%dma_start3A_215 : memref<128x16xf32, #tpu.memory_space<vmem>>) target_semaphore(%arg22 : memref<!tpu.dma_semaphore, #tpu.memory_space<semaphore_mem>>)
        } else {
        }
      } else {
      }
      %lt3A_71 = arith.cmpi slt, %add3A_56, %add3A_9 : i32
      %convert_element_type3A_72 = arith.extui %lt3A_71 : i1 to i32
      %cond3A_73 = arith.constant 0 : i32
      %cond3A_74 = arith.cmpi ne, %convert_element_type3A_72, %cond3A_73 : i32
      scf.if %cond3A_74 {
        %dma_wait3A = arith.constant 0 : i32
        %dma_wait3A_160 = arith.constant 0 : i32
        %dma_wait3A_161 = arith.constant 0 : i32
        %dma_wait3A_162 = tpu.memref_slice %arg11[%dma_wait3A, %dma_wait3A_160, %dma_wait3A_161] : memref<2x128x64xf32, #tpu.memory_space<vmem>> -> memref<1x128x64xf32, #tpu.memory_space<vmem>>
        %dma_wait3A_163 = tpu.memref_squeeze %dma_wait3A_162 : memref<1x128x64xf32, #tpu.memory_space<vmem>> -> memref<128x64xf32, #tpu.memory_space<vmem>>
        %dma_wait3A_164 = arith.constant 0 : i32
        %dma_wait3A_165 = tpu.memref_slice %arg9[%add3A_56, %dma_wait3A_164] : memref<157x128xi32, #tpu.memory_space<vmem>> -> memref<1x128xi32, #tpu.memory_space<vmem>>
        %dma_wait3A_166 = tpu.memref_squeeze %dma_wait3A_165 : memref<1x128xi32, #tpu.memory_space<vmem>> -> memref<128xi32, #tpu.memory_space<vmem>>
        %dma_wait3A_167 = arith.constant 0 : i32
        %dma_wait3A_168 = arith.constant 0 : i32
        %dma_wait3A_169 = tpu.memref_slice %arg2[%dma_wait3A_167, %dma_wait3A_168] : memref<10000x64xf32, #tpu.memory_space<hbm>> -> memref<10000x64xf32, #tpu.memory_space<hbm>>
        tpu.wait_indirect_dma semaphore(%arg17 : memref<!tpu.dma_semaphore, #tpu.memory_space<semaphore_mem>>) src(%dma_wait3A_169 : memref<10000x64xf32, #tpu.memory_space<hbm>>) dst(%dma_wait3A_163 : memref<128x64xf32, #tpu.memory_space<vmem>>)
        %dma_start3A = arith.constant 0 : i32
        %dma_start3A_170 = arith.constant 0 : i32
        %dma_start3A_171 = arith.constant 0 : i32
        %dma_start3A_172 = tpu.memref_slice %arg11[%dma_start3A, %dma_start3A_170, %dma_start3A_171] : memref<2x128x64xf32, #tpu.memory_space<vmem>> -> memref<1x128x64xf32, #tpu.memory_space<vmem>>
        %dma_start3A_173 = tpu.memref_squeeze %dma_start3A_172 : memref<1x128x64xf32, #tpu.memory_space<vmem>> -> memref<128x64xf32, #tpu.memory_space<vmem>>
        %dma_start3A_174 = arith.constant 0 : i32
        %dma_start3A_175 = tpu.memref_slice %arg10[%add3A_56, %dma_start3A_174] : memref<157x128xi32, #tpu.memory_space<vmem>> -> memref<1x128xi32, #tpu.memory_space<vmem>>
        %dma_start3A_176 = tpu.memref_squeeze %dma_start3A_175 : memref<1x128xi32, #tpu.memory_space<vmem>> -> memref<128xi32, #tpu.memory_space<vmem>>
        %dma_start3A_177 = arith.constant 0 : i32
        %dma_start3A_178 = arith.constant 0 : i32
        %dma_start3A_179 = tpu.memref_slice %arg15[%dma_start3A_177, %dma_start3A_178] : memref<10000x64xf32, #tpu.memory_space<vmem_shared>> -> memref<10000x64xf32, #tpu.memory_space<vmem_shared>>
        tpu.enqueue_indirect_dma source(%dma_start3A_173 : memref<128x64xf32, #tpu.memory_space<vmem>>) target(%dma_start3A_179 : memref<10000x64xf32, #tpu.memory_space<vmem_shared>>) offsets(%dma_start3A_176 : memref<128xi32, #tpu.memory_space<vmem>>) semaphore(%arg19 : memref<!tpu.dma_semaphore, #tpu.memory_space<semaphore_mem>>) {add = true}
      } else {
      }
      %lt3A_75 = arith.cmpi slt, %add3A_56, %add3A_9 : i32
      %add3A_76 = arith.addi %add3A, %add3A_56 : i32
      %jit3A_77 = arith.constant 1250 : i32
      %div3A_78 = arith.divsi %add3A_76, %jit3A_77 : i32
      %sign3A_79 = arith.constant 0 : i32
      %sign3A_80 = arith.cmpi sgt, %add3A_76, %sign3A_79 : i32
      %sign3A_81 = arith.extui %sign3A_80 : i1 to i32
      %sign3A_82 = arith.constant 0 : i32
      %sign3A_83 = arith.cmpi slt, %add3A_76, %sign3A_82 : i32
      %sign3A_84 = arith.extui %sign3A_83 : i1 to i32
      %sign3A_85 = arith.subi %sign3A_81, %sign3A_84 : i32
      %sign3A_86 = arith.constant 0 : i32
      %sign3A_87 = arith.cmpi sgt, %jit3A_77, %sign3A_86 : i32
      %sign3A_88 = arith.extui %sign3A_87 : i1 to i32
      %sign3A_89 = arith.constant 0 : i32
      %sign3A_90 = arith.cmpi slt, %jit3A_77, %sign3A_89 : i32
      %sign3A_91 = arith.extui %sign3A_90 : i1 to i32
      %sign3A_92 = arith.subi %sign3A_88, %sign3A_91 : i32
      %ne3A_93 = arith.cmpi ne, %sign3A_85, %sign3A_92 : i32
      %rem3A_94 = arith.remsi %add3A_76, %jit3A_77 : i32
      %ne3A_95 = arith.constant 0 : i32
      %ne3A_96 = arith.cmpi ne, %rem3A_94, %ne3A_95 : i32
      %and3A_97 = arith.andi %ne3A_93, %ne3A_96 : i1
      %sub3A_98 = arith.constant 1 : i32
      %sub3A_99 = arith.subi %div3A_78, %sub3A_98 : i32
      %select_n3A_100 = arith.select %and3A_97, %sub3A_99, %div3A_78 : i32
      %eq3A_101 = arith.cmpi eq, %select_n3A_100, %arg0 : i32
      %and3A_102 = arith.andi %lt3A_75, %eq3A_101 : i1
      %convert_element_type3A_103 = arith.extui %and3A_102 : i1 to i32
      %cond3A_104 = arith.constant 0 : i32
      %cond3A_105 = arith.cmpi ne, %convert_element_type3A_103, %cond3A_104 : i32
      scf.if %cond3A_105 {
        %add3A_160 = arith.addi %add3A, %add3A_56 : i32
        %mul3A_161 = arith.constant 128 : i32
        %mul3A_162 = arith.muli %add3A_160, %mul3A_161 : i32
        %dma_wait3A = arith.constant 0 : i32
        %dma_wait3A_163 = arith.constant 0 : i32
        %dma_wait3A_164 = arith.constant 0 : i32
        %dma_wait3A_165 = tpu.memref_slice %arg12[%dma_wait3A, %dma_wait3A_163, %dma_wait3A_164] : memref<2x128x16xf32, #tpu.memory_space<vmem>> -> memref<1x128x16xf32, #tpu.memory_space<vmem>>
        %dma_wait3A_166 = tpu.memref_squeeze %dma_wait3A_165 : memref<1x128x16xf32, #tpu.memory_space<vmem>> -> memref<128x16xf32, #tpu.memory_space<vmem>>
        %dma_wait3A_167 = arith.constant 0 : i32
        %dma_wait3A_168 = tpu.memref_slice %arg6[%mul3A_162, %dma_wait3A_167] : memref<320000x16xf32, #tpu.memory_space<hbm>> -> memref<128x16xf32, #tpu.memory_space<hbm>>
        %dma_wait3A_169 = arith.constant 0 : i32
        %dma_wait3A_170 = arith.constant 0 : i32
        %dma_wait3A_171 = tpu.memref_slice %arg12[%dma_wait3A, %dma_wait3A_169, %dma_wait3A_170] : memref<2x128x16xf32, #tpu.memory_space<vmem>> -> memref<1x128x16xf32, #tpu.memory_space<vmem>>
        %dma_wait3A_172 = tpu.memref_squeeze %dma_wait3A_171 : memref<1x128x16xf32, #tpu.memory_space<vmem>> -> memref<128x16xf32, #tpu.memory_space<vmem>>
        %dma_wait3A_173 = arith.constant 0 : i32
        %dma_wait3A_174 = tpu.memref_slice %arg6[%mul3A_162, %dma_wait3A_173] : memref<320000x16xf32, #tpu.memory_space<hbm>> -> memref<128x16xf32, #tpu.memory_space<hbm>>
        tpu.wait_dma2 semaphore(%arg21 : memref<!tpu.dma_semaphore, #tpu.memory_space<semaphore_mem>>) src(%dma_wait3A_174 : memref<128x16xf32, #tpu.memory_space<hbm>>) dst(%dma_wait3A_172 : memref<128x16xf32, #tpu.memory_space<vmem>>)
        %scan3A_175 = arith.constant 0 : i32
        %scan3A_176 = arith.constant 0 : i32
        %scan3A_177 = arith.constant 16 : i32
        %scan3A_178 = arith.addi %scan3A_176, %scan3A_177 : i32
        %scan3A_179 = arith.constant 1 : i32
        scf.for %scan3A_191 = %scan3A_176 to %scan3A_178 step %scan3A_179  : i32 {
          %mul3A_192 = arith.constant 8 : i32
          %mul3A_193 = arith.muli %scan3A_191, %mul3A_192 : i32
          %add3A_194 = arith.constant 0 : i32
          %add3A_195 = arith.addi %mul3A_193, %add3A_194 : i32
          %get3A = arith.constant 0 : i32
          %get3A_196 = arith.index_cast %get3A : i32 to index
          %get3A_197 = arith.index_cast %add3A_195 : i32 to index
          %get3A_198 = arith.constant 0 : index
          %get3A_199 = tpu.vector_load %arg12[%get3A_196, %get3A_197, %get3A_198] {strides = array<i32>} : memref<2x128x16xf32, #tpu.memory_space<vmem>>, vector<1x1x16xf32>,
          %get3A_200 = vector.shape_cast %get3A_199 : vector<1x1x16xf32> to vector<16xf32>
          %max3A = arith.constant 0.000000e+00 : f32
          %max3A_201 = vector.broadcast %max3A : f32 to vector<16xf32>
          %max3A_202 = arith.maximumf %get3A_200, %max3A_201 : vector<16xf32>
          %swap3A = arith.constant 0 : i32
          %swap3A_203 = arith.index_cast %swap3A : i32 to index
          %swap3A_204 = arith.index_cast %add3A_195 : i32 to index
          %swap3A_205 = arith.constant 0 : index
          %swap3A_206 = tpu.vector_load %arg12[%swap3A_203, %swap3A_204, %swap3A_205] {strides = array<i32>} : memref<2x128x16xf32, #tpu.memory_space<vmem>>, vector<1x1x16xf32>,
          %swap3A_207 = vector.shape_cast %swap3A_206 : vector<1x1x16xf32> to vector<16xf32>
          %swap3A_208 = vector.shape_cast %max3A_202 : vector<16xf32> to vector<1x1x16xf32>
          tpu.vector_store %arg12[%swap3A_203, %swap3A_204, %swap3A_205], %swap3A_208 {strides = array<i32>} : memref<2x128x16xf32, #tpu.memory_space<vmem>>, vector<1x1x16xf32>,
          %mul3A_209 = arith.constant 8 : i32
          %mul3A_210 = arith.muli %scan3A_191, %mul3A_209 : i32
          %add3A_211 = arith.constant 1 : i32
          %add3A_212 = arith.addi %mul3A_210, %add3A_211 : i32
          %get3A_213 = arith.constant 0 : i32
          %get3A_214 = arith.index_cast %get3A_213 : i32 to index
          %get3A_215 = arith.index_cast %add3A_212 : i32 to index
          %get3A_216 = arith.constant 0 : index
          %get3A_217 = tpu.vector_load %arg12[%get3A_214, %get3A_215, %get3A_216] {strides = array<i32>} : memref<2x128x16xf32, #tpu.memory_space<vmem>>, vector<1x1x16xf32>,
          %get3A_218 = vector.shape_cast %get3A_217 : vector<1x1x16xf32> to vector<16xf32>
          %max3A_219 = arith.constant 0.000000e+00 : f32
          %max3A_220 = vector.broadcast %max3A_219 : f32 to vector<16xf32>
          %max3A_221 = arith.maximumf %get3A_218, %max3A_220 : vector<16xf32>
          %swap3A_222 = arith.constant 0 : i32
          %swap3A_223 = arith.index_cast %swap3A_222 : i32 to index
          %swap3A_224 = arith.index_cast %add3A_212 : i32 to index
          %swap3A_225 = arith.constant 0 : index
          %swap3A_226 = tpu.vector_load %arg12[%swap3A_223, %swap3A_224, %swap3A_225] {strides = array<i32>} : memref<2x128x16xf32, #tpu.memory_space<vmem>>, vector<1x1x16xf32>,
          %swap3A_227 = vector.shape_cast %swap3A_226 : vector<1x1x16xf32> to vector<16xf32>
          %swap3A_228 = vector.shape_cast %max3A_221 : vector<16xf32> to vector<1x1x16xf32>
          tpu.vector_store %arg12[%swap3A_223, %swap3A_224, %swap3A_225], %swap3A_228 {strides = array<i32>} : memref<2x128x16xf32, #tpu.memory_space<vmem>>, vector<1x1x16xf32>,
          %mul3A_229 = arith.constant 8 : i32
          %mul3A_230 = arith.muli %scan3A_191, %mul3A_229 : i32
          %add3A_231 = arith.constant 2 : i32
          %add3A_232 = arith.addi %mul3A_230, %add3A_231 : i32
          %get3A_233 = arith.constant 0 : i32
          %get3A_234 = arith.index_cast %get3A_233 : i32 to index
          %get3A_235 = arith.index_cast %add3A_232 : i32 to index
          %get3A_236 = arith.constant 0 : index
          %get3A_237 = tpu.vector_load %arg12[%get3A_234, %get3A_235, %get3A_236] {strides = array<i32>} : memref<2x128x16xf32, #tpu.memory_space<vmem>>, vector<1x1x16xf32>,
          %get3A_238 = vector.shape_cast %get3A_237 : vector<1x1x16xf32> to vector<16xf32>
          %max3A_239 = arith.constant 0.000000e+00 : f32
          %max3A_240 = vector.broadcast %max3A_239 : f32 to vector<16xf32>
          %max3A_241 = arith.maximumf %get3A_238, %max3A_240 : vector<16xf32>
          %swap3A_242 = arith.constant 0 : i32
          %swap3A_243 = arith.index_cast %swap3A_242 : i32 to index
          %swap3A_244 = arith.index_cast %add3A_232 : i32 to index
          %swap3A_245 = arith.constant 0 : index
          %swap3A_246 = tpu.vector_load %arg12[%swap3A_243, %swap3A_244, %swap3A_245] {strides = array<i32>} : memref<2x128x16xf32, #tpu.memory_space<vmem>>, vector<1x1x16xf32>,
          %swap3A_247 = vector.shape_cast %swap3A_246 : vector<1x1x16xf32> to vector<16xf32>
          %swap3A_248 = vector.shape_cast %max3A_241 : vector<16xf32> to vector<1x1x16xf32>
          tpu.vector_store %arg12[%swap3A_243, %swap3A_244, %swap3A_245], %swap3A_248 {strides = array<i32>} : memref<2x128x16xf32, #tpu.memory_space<vmem>>, vector<1x1x16xf32>,
          %mul3A_249 = arith.constant 8 : i32
          %mul3A_250 = arith.muli %scan3A_191, %mul3A_249 : i32
          %add3A_251 = arith.constant 3 : i32
          %add3A_252 = arith.addi %mul3A_250, %add3A_251 : i32
          %get3A_253 = arith.constant 0 : i32
          %get3A_254 = arith.index_cast %get3A_253 : i32 to index
          %get3A_255 = arith.index_cast %add3A_252 : i32 to index
          %get3A_256 = arith.constant 0 : index
          %get3A_257 = tpu.vector_load %arg12[%get3A_254, %get3A_255, %get3A_256] {strides = array<i32>} : memref<2x128x16xf32, #tpu.memory_space<vmem>>, vector<1x1x16xf32>,
          %get3A_258 = vector.shape_cast %get3A_257 : vector<1x1x16xf32> to vector<16xf32>
          %max3A_259 = arith.constant 0.000000e+00 : f32
          %max3A_260 = vector.broadcast %max3A_259 : f32 to vector<16xf32>
          %max3A_261 = arith.maximumf %get3A_258, %max3A_260 : vector<16xf32>
          %swap3A_262 = arith.constant 0 : i32
          %swap3A_263 = arith.index_cast %swap3A_262 : i32 to index
          %swap3A_264 = arith.index_cast %add3A_252 : i32 to index
          %swap3A_265 = arith.constant 0 : index
          %swap3A_266 = tpu.vector_load %arg12[%swap3A_263, %swap3A_264, %swap3A_265] {strides = array<i32>} : memref<2x128x16xf32, #tpu.memory_space<vmem>>, vector<1x1x16xf32>,
          %swap3A_267 = vector.shape_cast %swap3A_266 : vector<1x1x16xf32> to vector<16xf32>
          %swap3A_268 = vector.shape_cast %max3A_261 : vector<16xf32> to vector<1x1x16xf32>
          tpu.vector_store %arg12[%swap3A_263, %swap3A_264, %swap3A_265], %swap3A_268 {strides = array<i32>} : memref<2x128x16xf32, #tpu.memory_space<vmem>>, vector<1x1x16xf32>,
          %mul3A_269 = arith.constant 8 : i32
          %mul3A_270 = arith.muli %scan3A_191, %mul3A_269 : i32
          %add3A_271 = arith.constant 4 : i32
          %add3A_272 = arith.addi %mul3A_270, %add3A_271 : i32
          %get3A_273 = arith.constant 0 : i32
          %get3A_274 = arith.index_cast %get3A_273 : i32 to index
          %get3A_275 = arith.index_cast %add3A_272 : i32 to index
          %get3A_276 = arith.constant 0 : index
          %get3A_277 = tpu.vector_load %arg12[%get3A_274, %get3A_275, %get3A_276] {strides = array<i32>} : memref<2x128x16xf32, #tpu.memory_space<vmem>>, vector<1x1x16xf32>,
          %get3A_278 = vector.shape_cast %get3A_277 : vector<1x1x16xf32> to vector<16xf32>
          %max3A_279 = arith.constant 0.000000e+00 : f32
          %max3A_280 = vector.broadcast %max3A_279 : f32 to vector<16xf32>
          %max3A_281 = arith.maximumf %get3A_278, %max3A_280 : vector<16xf32>
          %swap3A_282 = arith.constant 0 : i32
          %swap3A_283 = arith.index_cast %swap3A_282 : i32 to index
          %swap3A_284 = arith.index_cast %add3A_272 : i32 to index
          %swap3A_285 = arith.constant 0 : index
          %swap3A_286 = tpu.vector_load %arg12[%swap3A_283, %swap3A_284, %swap3A_285] {strides = array<i32>} : memref<2x128x16xf32, #tpu.memory_space<vmem>>, vector<1x1x16xf32>,
          %swap3A_287 = vector.shape_cast %swap3A_286 : vector<1x1x16xf32> to vector<16xf32>
          %swap3A_288 = vector.shape_cast %max3A_281 : vector<16xf32> to vector<1x1x16xf32>
          tpu.vector_store %arg12[%swap3A_283, %swap3A_284, %swap3A_285], %swap3A_288 {strides = array<i32>} : memref<2x128x16xf32, #tpu.memory_space<vmem>>, vector<1x1x16xf32>,
          %mul3A_289 = arith.constant 8 : i32
          %mul3A_290 = arith.muli %scan3A_191, %mul3A_289 : i32
          %add3A_291 = arith.constant 5 : i32
          %add3A_292 = arith.addi %mul3A_290, %add3A_291 : i32
          %get3A_293 = arith.constant 0 : i32
          %get3A_294 = arith.index_cast %get3A_293 : i32 to index
          %get3A_295 = arith.index_cast %add3A_292 : i32 to index
          %get3A_296 = arith.constant 0 : index
          %get3A_297 = tpu.vector_load %arg12[%get3A_294, %get3A_295, %get3A_296] {strides = array<i32>} : memref<2x128x16xf32, #tpu.memory_space<vmem>>, vector<1x1x16xf32>,
          %get3A_298 = vector.shape_cast %get3A_297 : vector<1x1x16xf32> to vector<16xf32>
          %max3A_299 = arith.constant 0.000000e+00 : f32
          %max3A_300 = vector.broadcast %max3A_299 : f32 to vector<16xf32>
          %max3A_301 = arith.maximumf %get3A_298, %max3A_300 : vector<16xf32>
          %swap3A_302 = arith.constant 0 : i32
          %swap3A_303 = arith.index_cast %swap3A_302 : i32 to index
          %swap3A_304 = arith.index_cast %add3A_292 : i32 to index
          %swap3A_305 = arith.constant 0 : index
          %swap3A_306 = tpu.vector_load %arg12[%swap3A_303, %swap3A_304, %swap3A_305] {strides = array<i32>} : memref<2x128x16xf32, #tpu.memory_space<vmem>>, vector<1x1x16xf32>,
          %swap3A_307 = vector.shape_cast %swap3A_306 : vector<1x1x16xf32> to vector<16xf32>
          %swap3A_308 = vector.shape_cast %max3A_301 : vector<16xf32> to vector<1x1x16xf32>
          tpu.vector_store %arg12[%swap3A_303, %swap3A_304, %swap3A_305], %swap3A_308 {strides = array<i32>} : memref<2x128x16xf32, #tpu.memory_space<vmem>>, vector<1x1x16xf32>,
          %mul3A_309 = arith.constant 8 : i32
          %mul3A_310 = arith.muli %scan3A_191, %mul3A_309 : i32
          %add3A_311 = arith.constant 6 : i32
          %add3A_312 = arith.addi %mul3A_310, %add3A_311 : i32
          %get3A_313 = arith.constant 0 : i32
          %get3A_314 = arith.index_cast %get3A_313 : i32 to index
          %get3A_315 = arith.index_cast %add3A_312 : i32 to index
          %get3A_316 = arith.constant 0 : index
          %get3A_317 = tpu.vector_load %arg12[%get3A_314, %get3A_315, %get3A_316] {strides = array<i32>} : memref<2x128x16xf32, #tpu.memory_space<vmem>>, vector<1x1x16xf32>,
          %get3A_318 = vector.shape_cast %get3A_317 : vector<1x1x16xf32> to vector<16xf32>
          %max3A_319 = arith.constant 0.000000e+00 : f32
          %max3A_320 = vector.broadcast %max3A_319 : f32 to vector<16xf32>
          %max3A_321 = arith.maximumf %get3A_318, %max3A_320 : vector<16xf32>
          %swap3A_322 = arith.constant 0 : i32
          %swap3A_323 = arith.index_cast %swap3A_322 : i32 to index
          %swap3A_324 = arith.index_cast %add3A_312 : i32 to index
          %swap3A_325 = arith.constant 0 : index
          %swap3A_326 = tpu.vector_load %arg12[%swap3A_323, %swap3A_324, %swap3A_325] {strides = array<i32>} : memref<2x128x16xf32, #tpu.memory_space<vmem>>, vector<1x1x16xf32>,
          %swap3A_327 = vector.shape_cast %swap3A_326 : vector<1x1x16xf32> to vector<16xf32>
          %swap3A_328 = vector.shape_cast %max3A_321 : vector<16xf32> to vector<1x1x16xf32>
          tpu.vector_store %arg12[%swap3A_323, %swap3A_324, %swap3A_325], %swap3A_328 {strides = array<i32>} : memref<2x128x16xf32, #tpu.memory_space<vmem>>, vector<1x1x16xf32>,
          %mul3A_329 = arith.constant 8 : i32
          %mul3A_330 = arith.muli %scan3A_191, %mul3A_329 : i32
          %add3A_331 = arith.constant 7 : i32
          %add3A_332 = arith.addi %mul3A_330, %add3A_331 : i32
          %get3A_333 = arith.constant 0 : i32
          %get3A_334 = arith.index_cast %get3A_333 : i32 to index
          %get3A_335 = arith.index_cast %add3A_332 : i32 to index
          %get3A_336 = arith.constant 0 : index
          %get3A_337 = tpu.vector_load %arg12[%get3A_334, %get3A_335, %get3A_336] {strides = array<i32>} : memref<2x128x16xf32, #tpu.memory_space<vmem>>, vector<1x1x16xf32>,
          %get3A_338 = vector.shape_cast %get3A_337 : vector<1x1x16xf32> to vector<16xf32>
          %max3A_339 = arith.constant 0.000000e+00 : f32
          %max3A_340 = vector.broadcast %max3A_339 : f32 to vector<16xf32>
          %max3A_341 = arith.maximumf %get3A_338, %max3A_340 : vector<16xf32>
          %swap3A_342 = arith.constant 0 : i32
          %swap3A_343 = arith.index_cast %swap3A_342 : i32 to index
          %swap3A_344 = arith.index_cast %add3A_332 : i32 to index
          %swap3A_345 = arith.constant 0 : index
          %swap3A_346 = tpu.vector_load %arg12[%swap3A_343, %swap3A_344, %swap3A_345] {strides = array<i32>} : memref<2x128x16xf32, #tpu.memory_space<vmem>>, vector<1x1x16xf32>,
          %swap3A_347 = vector.shape_cast %swap3A_346 : vector<1x1x16xf32> to vector<16xf32>
          %swap3A_348 = vector.shape_cast %max3A_341 : vector<16xf32> to vector<1x1x16xf32>
          tpu.vector_store %arg12[%swap3A_343, %swap3A_344, %swap3A_345], %swap3A_348 {strides = array<i32>} : memref<2x128x16xf32, #tpu.memory_space<vmem>>, vector<1x1x16xf32>,
        }
        %scan3A_180 = arith.constant 16 : i32
        %dma_start3A = arith.constant 0 : i32
        %dma_start3A_181 = arith.constant 0 : i32
        %dma_start3A_182 = arith.constant 0 : i32
        %dma_start3A_183 = tpu.memref_slice %arg12[%dma_start3A, %dma_start3A_181, %dma_start3A_182] : memref<2x128x16xf32, #tpu.memory_space<vmem>> -> memref<1x128x16xf32, #tpu.memory_space<vmem>>
        %dma_start3A_184 = tpu.memref_squeeze %dma_start3A_183 : memref<1x128x16xf32, #tpu.memory_space<vmem>> -> memref<128x16xf32, #tpu.memory_space<vmem>>
        %dma_start3A_185 = arith.constant 0 : i32
        %dma_start3A_186 = tpu.memref_slice %arg10[%add3A_56, %dma_start3A_185] : memref<157x128xi32, #tpu.memory_space<vmem>> -> memref<1x128xi32, #tpu.memory_space<vmem>>
        %dma_start3A_187 = tpu.memref_squeeze %dma_start3A_186 : memref<1x128xi32, #tpu.memory_space<vmem>> -> memref<128xi32, #tpu.memory_space<vmem>>
        %dma_start3A_188 = arith.constant 0 : i32
        %dma_start3A_189 = arith.constant 0 : i32
        %dma_start3A_190 = tpu.memref_slice %arg16[%dma_start3A_188, %dma_start3A_189] : memref<10000x16xf32, #tpu.memory_space<vmem_shared>> -> memref<10000x16xf32, #tpu.memory_space<vmem_shared>>
        tpu.enqueue_indirect_dma source(%dma_start3A_184 : memref<128x16xf32, #tpu.memory_space<vmem>>) target(%dma_start3A_190 : memref<10000x16xf32, #tpu.memory_space<vmem_shared>>) offsets(%dma_start3A_187 : memref<128xi32, #tpu.memory_space<vmem>>) semaphore(%arg23 : memref<!tpu.dma_semaphore, #tpu.memory_space<semaphore_mem>>) {add = true}
      } else {
      }
      %mul3A_106 = arith.constant 2 : i32
      %mul3A_107 = arith.muli %mul3A_106, %scan3A_52 : i32
      %add3A_108 = arith.constant 1 : i32
      %add3A_109 = arith.addi %mul3A_107, %add3A_108 : i32
      %ge3A_110 = arith.constant 1 : i32
      %ge3A_111 = arith.cmpi sge, %add3A_109, %ge3A_110 : i32
      %sub3A_112 = arith.constant 1 : i32
      %sub3A_113 = arith.subi %add3A_109, %sub3A_112 : i32
      %lt3A_114 = arith.cmpi slt, %sub3A_113, %add3A_9 : i32
      %and3A_115 = arith.andi %ge3A_111, %lt3A_114 : i1
      %convert_element_type3A_116 = arith.extui %and3A_115 : i1 to i32
      %cond3A_117 = arith.constant 0 : i32
      %cond3A_118 = arith.cmpi ne, %convert_element_type3A_116, %cond3A_117 : i32
      scf.if %cond3A_118 {
        %sub3A_160 = arith.constant 1 : i32
        %sub3A_161 = arith.subi %add3A_109, %sub3A_160 : i32
        %dma_wait3A = arith.constant 0 : i32
        %dma_wait3A_162 = arith.constant 0 : i32
        %dma_wait3A_163 = arith.constant 0 : i32
        %dma_wait3A_164 = tpu.memref_slice %arg11[%dma_wait3A, %dma_wait3A_162, %dma_wait3A_163] : memref<2x128x64xf32, #tpu.memory_space<vmem>> -> memref<1x128x64xf32, #tpu.memory_space<vmem>>
        %dma_wait3A_165 = tpu.memref_squeeze %dma_wait3A_164 : memref<1x128x64xf32, #tpu.memory_space<vmem>> -> memref<128x64xf32, #tpu.memory_space<vmem>>
        %dma_wait3A_166 = arith.constant 0 : i32
        %dma_wait3A_167 = tpu.memref_slice %arg10[%sub3A_161, %dma_wait3A_166] : memref<157x128xi32, #tpu.memory_space<vmem>> -> memref<1x128xi32, #tpu.memory_space<vmem>>
        %dma_wait3A_168 = tpu.memref_squeeze %dma_wait3A_167 : memref<1x128xi32, #tpu.memory_space<vmem>> -> memref<128xi32, #tpu.memory_space<vmem>>
        %dma_wait3A_169 = arith.constant 0 : i32
        %dma_wait3A_170 = arith.constant 0 : i32
        %dma_wait3A_171 = tpu.memref_slice %arg15[%dma_wait3A_169, %dma_wait3A_170] : memref<10000x64xf32, #tpu.memory_space<vmem_shared>> -> memref<10000x64xf32, #tpu.memory_space<vmem_shared>>
        tpu.wait_indirect_dma semaphore(%arg19 : memref<!tpu.dma_semaphore, #tpu.memory_space<semaphore_mem>>) src(%dma_wait3A_165 : memref<128x64xf32, #tpu.memory_space<vmem>>) dst(%dma_wait3A_171 : memref<10000x64xf32, #tpu.memory_space<vmem_shared>>)
        %sub3A_172 = arith.constant 1 : i32
        %sub3A_173 = arith.subi %add3A_109, %sub3A_172 : i32
        %add3A_174 = arith.addi %add3A, %sub3A_173 : i32
        %jit3A_175 = arith.constant 1250 : i32
        %div3A_176 = arith.divsi %add3A_174, %jit3A_175 : i32
        %sign3A_177 = arith.constant 0 : i32
        %sign3A_178 = arith.cmpi sgt, %add3A_174, %sign3A_177 : i32
        %sign3A_179 = arith.extui %sign3A_178 : i1 to i32
        %sign3A_180 = arith.constant 0 : i32
        %sign3A_181 = arith.cmpi slt, %add3A_174, %sign3A_180 : i32
        %sign3A_182 = arith.extui %sign3A_181 : i1 to i32
        %sign3A_183 = arith.subi %sign3A_179, %sign3A_182 : i32
        %sign3A_184 = arith.constant 0 : i32
        %sign3A_185 = arith.cmpi sgt, %jit3A_175, %sign3A_184 : i32
        %sign3A_186 = arith.extui %sign3A_185 : i1 to i32
        %sign3A_187 = arith.constant 0 : i32
        %sign3A_188 = arith.cmpi slt, %jit3A_175, %sign3A_187 : i32
        %sign3A_189 = arith.extui %sign3A_188 : i1 to i32
        %sign3A_190 = arith.subi %sign3A_186, %sign3A_189 : i32
        %ne3A_191 = arith.cmpi ne, %sign3A_183, %sign3A_190 : i32
        %rem3A_192 = arith.remsi %add3A_174, %jit3A_175 : i32
        %ne3A_193 = arith.constant 0 : i32
        %ne3A_194 = arith.cmpi ne, %rem3A_192, %ne3A_193 : i32
        %and3A_195 = arith.andi %ne3A_191, %ne3A_194 : i1
        %sub3A_196 = arith.constant 1 : i32
        %sub3A_197 = arith.subi %div3A_176, %sub3A_196 : i32
        %select_n3A_198 = arith.select %and3A_195, %sub3A_197, %div3A_176 : i32
        %eq3A_199 = arith.cmpi eq, %select_n3A_198, %arg0 : i32
        %convert_element_type3A_200 = arith.extui %eq3A_199 : i1 to i32
        %cond3A_201 = arith.constant 0 : i32
        %cond3A_202 = arith.cmpi ne, %convert_element_type3A_200, %cond3A_201 : i32
        scf.if %cond3A_202 {
          %sub3A_203 = arith.constant 1 : i32
          %sub3A_204 = arith.subi %add3A_109, %sub3A_203 : i32
          %dma_wait3A_205 = arith.constant 0 : i32
          %dma_wait3A_206 = arith.constant 0 : i32
          %dma_wait3A_207 = arith.constant 0 : i32
          %dma_wait3A_208 = tpu.memref_slice %arg12[%dma_wait3A_205, %dma_wait3A_206, %dma_wait3A_207] : memref<2x128x16xf32, #tpu.memory_space<vmem>> -> memref<1x128x16xf32, #tpu.memory_space<vmem>>
          %dma_wait3A_209 = tpu.memref_squeeze %dma_wait3A_208 : memref<1x128x16xf32, #tpu.memory_space<vmem>> -> memref<128x16xf32, #tpu.memory_space<vmem>>
          %dma_wait3A_210 = arith.constant 0 : i32
          %dma_wait3A_211 = tpu.memref_slice %arg10[%sub3A_204, %dma_wait3A_210] : memref<157x128xi32, #tpu.memory_space<vmem>> -> memref<1x128xi32, #tpu.memory_space<vmem>>
          %dma_wait3A_212 = tpu.memref_squeeze %dma_wait3A_211 : memref<1x128xi32, #tpu.memory_space<vmem>> -> memref<128xi32, #tpu.memory_space<vmem>>
          %dma_wait3A_213 = arith.constant 0 : i32
          %dma_wait3A_214 = arith.constant 0 : i32
          %dma_wait3A_215 = tpu.memref_slice %arg16[%dma_wait3A_213, %dma_wait3A_214] : memref<10000x16xf32, #tpu.memory_space<vmem_shared>> -> memref<10000x16xf32, #tpu.memory_space<vmem_shared>>
          tpu.wait_indirect_dma semaphore(%arg23 : memref<!tpu.dma_semaphore, #tpu.memory_space<semaphore_mem>>) src(%dma_wait3A_209 : memref<128x16xf32, #tpu.memory_space<vmem>>) dst(%dma_wait3A_215 : memref<10000x16xf32, #tpu.memory_space<vmem_shared>>)
        } else {
        }
      } else {
      }
      %add3A_119 = arith.constant 1 : i32
      %add3A_120 = arith.addi %add3A_109, %add3A_119 : i32
      %lt3A_121 = arith.cmpi slt, %add3A_120, %add3A_9 : i32
      %convert_element_type3A_122 = arith.extui %lt3A_121 : i1 to i32
      %cond3A_123 = arith.constant 0 : i32
      %cond3A_124 = arith.cmpi ne, %convert_element_type3A_122, %cond3A_123 : i32
      scf.if %cond3A_124 {
        %add3A_160 = arith.constant 1 : i32
        %add3A_161 = arith.addi %add3A_109, %add3A_160 : i32
        %eq3A_162 = arith.constant 0 : i32
        %eq3A_163 = arith.cmpi eq, %arg0, %eq3A_162 : i32
        %convert_element_type3A_164 = arith.extui %eq3A_163 : i1 to i32
        %cond3A_165 = arith.constant 0 : i32
        %cond3A_166 = arith.cmpi ne, %convert_element_type3A_164, %cond3A_165 : i32
        scf.if %cond3A_166 {
          %dma_start3A = arith.constant 0 : i32
          %dma_start3A_203 = arith.constant 0 : i32
          %dma_start3A_204 = arith.constant 0 : i32
          %dma_start3A_205 = tpu.memref_slice %arg11[%dma_start3A, %dma_start3A_203, %dma_start3A_204] : memref<2x128x64xf32, #tpu.memory_space<vmem>> -> memref<1x128x64xf32, #tpu.memory_space<vmem>>
          %dma_start3A_206 = tpu.memref_squeeze %dma_start3A_205 : memref<1x128x64xf32, #tpu.memory_space<vmem>> -> memref<128x64xf32, #tpu.memory_space<vmem>>
          %dma_start3A_207 = arith.constant 0 : i32
          %dma_start3A_208 = tpu.memref_slice %arg9[%add3A_161, %dma_start3A_207] : memref<157x128xi32, #tpu.memory_space<vmem>> -> memref<1x128xi32, #tpu.memory_space<vmem>>
          %dma_start3A_209 = tpu.memref_squeeze %dma_start3A_208 : memref<1x128xi32, #tpu.memory_space<vmem>> -> memref<128xi32, #tpu.memory_space<vmem>>
          %dma_start3A_210 = arith.constant 0 : i32
          %dma_start3A_211 = arith.constant 0 : i32
          %dma_start3A_212 = tpu.memref_slice %arg2[%dma_start3A_210, %dma_start3A_211] : memref<10000x64xf32, #tpu.memory_space<hbm>> -> memref<10000x64xf32, #tpu.memory_space<hbm>>
          tpu.enqueue_indirect_dma source(%dma_start3A_212 : memref<10000x64xf32, #tpu.memory_space<hbm>>) target(%dma_start3A_206 : memref<128x64xf32, #tpu.memory_space<vmem>>) offsets(%dma_start3A_209 : memref<128xi32, #tpu.memory_space<vmem>>) semaphore(%arg17 : memref<!tpu.dma_semaphore, #tpu.memory_space<semaphore_mem>>)
        } else {
        }
        %eq3A_167 = arith.constant 1 : i32
        %eq3A_168 = arith.cmpi eq, %arg0, %eq3A_167 : i32
        %convert_element_type3A_169 = arith.extui %eq3A_168 : i1 to i32
        %cond3A_170 = arith.constant 0 : i32
        %cond3A_171 = arith.cmpi ne, %convert_element_type3A_169, %cond3A_170 : i32
        scf.if %cond3A_171 {
          %dma_start3A = arith.constant 0 : i32
          %dma_start3A_203 = arith.constant 0 : i32
          %dma_start3A_204 = arith.constant 0 : i32
          %dma_start3A_205 = tpu.memref_slice %arg11[%dma_start3A, %dma_start3A_203, %dma_start3A_204] : memref<2x128x64xf32, #tpu.memory_space<vmem>> -> memref<1x128x64xf32, #tpu.memory_space<vmem>>
          %dma_start3A_206 = tpu.memref_squeeze %dma_start3A_205 : memref<1x128x64xf32, #tpu.memory_space<vmem>> -> memref<128x64xf32, #tpu.memory_space<vmem>>
          %dma_start3A_207 = arith.constant 0 : i32
          %dma_start3A_208 = tpu.memref_slice %arg9[%add3A_161, %dma_start3A_207] : memref<157x128xi32, #tpu.memory_space<vmem>> -> memref<1x128xi32, #tpu.memory_space<vmem>>
          %dma_start3A_209 = tpu.memref_squeeze %dma_start3A_208 : memref<1x128xi32, #tpu.memory_space<vmem>> -> memref<128xi32, #tpu.memory_space<vmem>>
          %dma_start3A_210 = arith.constant 0 : i32
          %dma_start3A_211 = arith.constant 0 : i32
          %dma_start3A_212 = tpu.memref_slice %arg3[%dma_start3A_210, %dma_start3A_211] : memref<10000x64xf32, #tpu.memory_space<hbm>> -> memref<10000x64xf32, #tpu.memory_space<hbm>>
          tpu.enqueue_indirect_dma source(%dma_start3A_212 : memref<10000x64xf32, #tpu.memory_space<hbm>>) target(%dma_start3A_206 : memref<128x64xf32, #tpu.memory_space<vmem>>) offsets(%dma_start3A_209 : memref<128xi32, #tpu.memory_space<vmem>>) semaphore(%arg17 : memref<!tpu.dma_semaphore, #tpu.memory_space<semaphore_mem>>)
        } else {
        }
        %add3A_172 = arith.constant 1 : i32
        %add3A_173 = arith.addi %add3A_109, %add3A_172 : i32
        %add3A_174 = arith.addi %add3A, %add3A_173 : i32
        %jit3A_175 = arith.constant 1250 : i32
        %div3A_176 = arith.divsi %add3A_174, %jit3A_175 : i32
        %sign3A_177 = arith.constant 0 : i32
        %sign3A_178 = arith.cmpi sgt, %add3A_174, %sign3A_177 : i32
        %sign3A_179 = arith.extui %sign3A_178 : i1 to i32
        %sign3A_180 = arith.constant 0 : i32
        %sign3A_181 = arith.cmpi slt, %add3A_174, %sign3A_180 : i32
        %sign3A_182 = arith.extui %sign3A_181 : i1 to i32
        %sign3A_183 = arith.subi %sign3A_179, %sign3A_182 : i32
        %sign3A_184 = arith.constant 0 : i32
        %sign3A_185 = arith.cmpi sgt, %jit3A_175, %sign3A_184 : i32
        %sign3A_186 = arith.extui %sign3A_185 : i1 to i32
        %sign3A_187 = arith.constant 0 : i32
        %sign3A_188 = arith.cmpi slt, %jit3A_175, %sign3A_187 : i32
        %sign3A_189 = arith.extui %sign3A_188 : i1 to i32
        %sign3A_190 = arith.subi %sign3A_186, %sign3A_189 : i32
        %ne3A_191 = arith.cmpi ne, %sign3A_183, %sign3A_190 : i32
        %rem3A_192 = arith.remsi %add3A_174, %jit3A_175 : i32
        %ne3A_193 = arith.constant 0 : i32
        %ne3A_194 = arith.cmpi ne, %rem3A_192, %ne3A_193 : i32
        %and3A_195 = arith.andi %ne3A_191, %ne3A_194 : i1
        %sub3A_196 = arith.constant 1 : i32
        %sub3A_197 = arith.subi %div3A_176, %sub3A_196 : i32
        %select_n3A_198 = arith.select %and3A_195, %sub3A_197, %div3A_176 : i32
        %eq3A_199 = arith.cmpi eq, %select_n3A_198, %arg0 : i32
        %convert_element_type3A_200 = arith.extui %eq3A_199 : i1 to i32
        %cond3A_201 = arith.constant 0 : i32
        %cond3A_202 = arith.cmpi ne, %convert_element_type3A_200, %cond3A_201 : i32
        scf.if %cond3A_202 {
          %add3A_203 = arith.addi %add3A, %add3A_173 : i32
          %mul3A_204 = arith.constant 128 : i32
          %mul3A_205 = arith.muli %add3A_203, %mul3A_204 : i32
          %dma_start3A = arith.constant 0 : i32
          %dma_start3A_206 = arith.constant 0 : i32
          %dma_start3A_207 = arith.constant 0 : i32
          %dma_start3A_208 = tpu.memref_slice %arg12[%dma_start3A, %dma_start3A_206, %dma_start3A_207] : memref<2x128x16xf32, #tpu.memory_space<vmem>> -> memref<1x128x16xf32, #tpu.memory_space<vmem>>
          %dma_start3A_209 = tpu.memref_squeeze %dma_start3A_208 : memref<1x128x16xf32, #tpu.memory_space<vmem>> -> memref<128x16xf32, #tpu.memory_space<vmem>>
          %dma_start3A_210 = arith.constant 0 : i32
          %dma_start3A_211 = tpu.memref_slice %arg6[%mul3A_205, %dma_start3A_210] : memref<320000x16xf32, #tpu.memory_space<hbm>> -> memref<128x16xf32, #tpu.memory_space<hbm>>
          %dma_start3A_212 = arith.constant 0 : i32
          %dma_start3A_213 = arith.constant 0 : i32
          %dma_start3A_214 = tpu.memref_slice %arg12[%dma_start3A, %dma_start3A_212, %dma_start3A_213] : memref<2x128x16xf32, #tpu.memory_space<vmem>> -> memref<1x128x16xf32, #tpu.memory_space<vmem>>
          %dma_start3A_215 = tpu.memref_squeeze %dma_start3A_214 : memref<1x128x16xf32, #tpu.memory_space<vmem>> -> memref<128x16xf32, #tpu.memory_space<vmem>>
          %dma_start3A_216 = arith.constant 0 : i32
          %dma_start3A_217 = tpu.memref_slice %arg6[%mul3A_205, %dma_start3A_216] : memref<320000x16xf32, #tpu.memory_space<hbm>> -> memref<128x16xf32, #tpu.memory_space<hbm>>
          tpu.enqueue_dma source(%dma_start3A_217 : memref<128x16xf32, #tpu.memory_space<hbm>>) target(%dma_start3A_215 : memref<128x16xf32, #tpu.memory_space<vmem>>) target_semaphore(%arg21 : memref<!tpu.dma_semaphore, #tpu.memory_space<semaphore_mem>>)
        } else {
        }
      } else {
      }
      %lt3A_125 = arith.cmpi slt, %add3A_109, %add3A_9 : i32
      %convert_element_type3A_126 = arith.extui %lt3A_125 : i1 to i32
      %cond3A_127 = arith.constant 0 : i32
      %cond3A_128 = arith.cmpi ne, %convert_element_type3A_126, %cond3A_127 : i32
      scf.if %cond3A_128 {
        %dma_wait3A = arith.constant 1 : i32
        %dma_wait3A_160 = arith.constant 0 : i32
        %dma_wait3A_161 = arith.constant 0 : i32
        %dma_wait3A_162 = tpu.memref_slice %arg11[%dma_wait3A, %dma_wait3A_160, %dma_wait3A_161] : memref<2x128x64xf32, #tpu.memory_space<vmem>> -> memref<1x128x64xf32, #tpu.memory_space<vmem>>
        %dma_wait3A_163 = tpu.memref_squeeze %dma_wait3A_162 : memref<1x128x64xf32, #tpu.memory_space<vmem>> -> memref<128x64xf32, #tpu.memory_space<vmem>>
        %dma_wait3A_164 = arith.constant 0 : i32
        %dma_wait3A_165 = tpu.memref_slice %arg9[%add3A_109, %dma_wait3A_164] : memref<157x128xi32, #tpu.memory_space<vmem>> -> memref<1x128xi32, #tpu.memory_space<vmem>>
        %dma_wait3A_166 = tpu.memref_squeeze %dma_wait3A_165 : memref<1x128xi32, #tpu.memory_space<vmem>> -> memref<128xi32, #tpu.memory_space<vmem>>
        %dma_wait3A_167 = arith.constant 0 : i32
        %dma_wait3A_168 = arith.constant 0 : i32
        %dma_wait3A_169 = tpu.memref_slice %arg2[%dma_wait3A_167, %dma_wait3A_168] : memref<10000x64xf32, #tpu.memory_space<hbm>> -> memref<10000x64xf32, #tpu.memory_space<hbm>>
        tpu.wait_indirect_dma semaphore(%arg18 : memref<!tpu.dma_semaphore, #tpu.memory_space<semaphore_mem>>) src(%dma_wait3A_169 : memref<10000x64xf32, #tpu.memory_space<hbm>>) dst(%dma_wait3A_163 : memref<128x64xf32, #tpu.memory_space<vmem>>)
        %dma_start3A = arith.constant 1 : i32
        %dma_start3A_170 = arith.constant 0 : i32
        %dma_start3A_171 = arith.constant 0 : i32
        %dma_start3A_172 = tpu.memref_slice %arg11[%dma_start3A, %dma_start3A_170, %dma_start3A_171] : memref<2x128x64xf32, #tpu.memory_space<vmem>> -> memref<1x128x64xf32, #tpu.memory_space<vmem>>
        %dma_start3A_173 = tpu.memref_squeeze %dma_start3A_172 : memref<1x128x64xf32, #tpu.memory_space<vmem>> -> memref<128x64xf32, #tpu.memory_space<vmem>>
        %dma_start3A_174 = arith.constant 0 : i32
        %dma_start3A_175 = tpu.memref_slice %arg10[%add3A_109, %dma_start3A_174] : memref<157x128xi32, #tpu.memory_space<vmem>> -> memref<1x128xi32, #tpu.memory_space<vmem>>
        %dma_start3A_176 = tpu.memref_squeeze %dma_start3A_175 : memref<1x128xi32, #tpu.memory_space<vmem>> -> memref<128xi32, #tpu.memory_space<vmem>>
        %dma_start3A_177 = arith.constant 0 : i32
        %dma_start3A_178 = arith.constant 0 : i32
        %dma_start3A_179 = tpu.memref_slice %arg15[%dma_start3A_177, %dma_start3A_178] : memref<10000x64xf32, #tpu.memory_space<vmem_shared>> -> memref<10000x64xf32, #tpu.memory_space<vmem_shared>>
        tpu.enqueue_indirect_dma source(%dma_start3A_173 : memref<128x64xf32, #tpu.memory_space<vmem>>) target(%dma_start3A_179 : memref<10000x64xf32, #tpu.memory_space<vmem_shared>>) offsets(%dma_start3A_176 : memref<128xi32, #tpu.memory_space<vmem>>) semaphore(%arg20 : memref<!tpu.dma_semaphore, #tpu.memory_space<semaphore_mem>>) {add = true}
      } else {
      }
      %lt3A_129 = arith.cmpi slt, %add3A_109, %add3A_9 : i32
      %add3A_130 = arith.addi %add3A, %add3A_109 : i32
      %jit3A_131 = arith.constant 1250 : i32
      %div3A_132 = arith.divsi %add3A_130, %jit3A_131 : i32
      %sign3A_133 = arith.constant 0 : i32
      %sign3A_134 = arith.cmpi sgt, %add3A_130, %sign3A_133 : i32
      %sign3A_135 = arith.extui %sign3A_134 : i1 to i32
      %sign3A_136 = arith.constant 0 : i32
      %sign3A_137 = arith.cmpi slt, %add3A_130, %sign3A_136 : i32
      %sign3A_138 = arith.extui %sign3A_137 : i1 to i32
      %sign3A_139 = arith.subi %sign3A_135, %sign3A_138 : i32
      %sign3A_140 = arith.constant 0 : i32
      %sign3A_141 = arith.cmpi sgt, %jit3A_131, %sign3A_140 : i32
      %sign3A_142 = arith.extui %sign3A_141 : i1 to i32
      %sign3A_143 = arith.constant 0 : i32
      %sign3A_144 = arith.cmpi slt, %jit3A_131, %sign3A_143 : i32
      %sign3A_145 = arith.extui %sign3A_144 : i1 to i32
      %sign3A_146 = arith.subi %sign3A_142, %sign3A_145 : i32
      %ne3A_147 = arith.cmpi ne, %sign3A_139, %sign3A_146 : i32
      %rem3A_148 = arith.remsi %add3A_130, %jit3A_131 : i32
      %ne3A_149 = arith.constant 0 : i32
      %ne3A_150 = arith.cmpi ne, %rem3A_148, %ne3A_149 : i32
      %and3A_151 = arith.andi %ne3A_147, %ne3A_150 : i1
      %sub3A_152 = arith.constant 1 : i32
      %sub3A_153 = arith.subi %div3A_132, %sub3A_152 : i32
      %select_n3A_154 = arith.select %and3A_151, %sub3A_153, %div3A_132 : i32
      %eq3A_155 = arith.cmpi eq, %select_n3A_154, %arg0 : i32
      %and3A_156 = arith.andi %lt3A_129, %eq3A_155 : i1
      %convert_element_type3A_157 = arith.extui %and3A_156 : i1 to i32
      %cond3A_158 = arith.constant 0 : i32
      %cond3A_159 = arith.cmpi ne, %convert_element_type3A_157, %cond3A_158 : i32
      scf.if %cond3A_159 {
        %add3A_160 = arith.addi %add3A, %add3A_109 : i32
        %mul3A_161 = arith.constant 128 : i32
        %mul3A_162 = arith.muli %add3A_160, %mul3A_161 : i32
        %dma_wait3A = arith.constant 1 : i32
        %dma_wait3A_163 = arith.constant 0 : i32
        %dma_wait3A_164 = arith.constant 0 : i32
        %dma_wait3A_165 = tpu.memref_slice %arg12[%dma_wait3A, %dma_wait3A_163, %dma_wait3A_164] : memref<2x128x16xf32, #tpu.memory_space<vmem>> -> memref<1x128x16xf32, #tpu.memory_space<vmem>>
        %dma_wait3A_166 = tpu.memref_squeeze %dma_wait3A_165 : memref<1x128x16xf32, #tpu.memory_space<vmem>> -> memref<128x16xf32, #tpu.memory_space<vmem>>
        %dma_wait3A_167 = arith.constant 0 : i32
        %dma_wait3A_168 = tpu.memref_slice %arg6[%mul3A_162, %dma_wait3A_167] : memref<320000x16xf32, #tpu.memory_space<hbm>> -> memref<128x16xf32, #tpu.memory_space<hbm>>
        %dma_wait3A_169 = arith.constant 0 : i32
        %dma_wait3A_170 = arith.constant 0 : i32
        %dma_wait3A_171 = tpu.memref_slice %arg12[%dma_wait3A, %dma_wait3A_169, %dma_wait3A_170] : memref<2x128x16xf32, #tpu.memory_space<vmem>> -> memref<1x128x16xf32, #tpu.memory_space<vmem>>
        %dma_wait3A_172 = tpu.memref_squeeze %dma_wait3A_171 : memref<1x128x16xf32, #tpu.memory_space<vmem>> -> memref<128x16xf32, #tpu.memory_space<vmem>>
        %dma_wait3A_173 = arith.constant 0 : i32
        %dma_wait3A_174 = tpu.memref_slice %arg6[%mul3A_162, %dma_wait3A_173] : memref<320000x16xf32, #tpu.memory_space<hbm>> -> memref<128x16xf32, #tpu.memory_space<hbm>>
        tpu.wait_dma2 semaphore(%arg22 : memref<!tpu.dma_semaphore, #tpu.memory_space<semaphore_mem>>) src(%dma_wait3A_174 : memref<128x16xf32, #tpu.memory_space<hbm>>) dst(%dma_wait3A_172 : memref<128x16xf32, #tpu.memory_space<vmem>>)
        %scan3A_175 = arith.constant 0 : i32
        %scan3A_176 = arith.constant 0 : i32
        %scan3A_177 = arith.constant 16 : i32
        %scan3A_178 = arith.addi %scan3A_176, %scan3A_177 : i32
        %scan3A_179 = arith.constant 1 : i32
        scf.for %scan3A_191 = %scan3A_176 to %scan3A_178 step %scan3A_179  : i32 {
          %mul3A_192 = arith.constant 8 : i32
          %mul3A_193 = arith.muli %scan3A_191, %mul3A_192 : i32
          %add3A_194 = arith.constant 0 : i32
          %add3A_195 = arith.addi %mul3A_193, %add3A_194 : i32
          %get3A = arith.constant 1 : i32
          %get3A_196 = arith.index_cast %get3A : i32 to index
          %get3A_197 = arith.index_cast %add3A_195 : i32 to index
          %get3A_198 = arith.constant 0 : index
          %get3A_199 = tpu.vector_load %arg12[%get3A_196, %get3A_197, %get3A_198] {strides = array<i32>} : memref<2x128x16xf32, #tpu.memory_space<vmem>>, vector<1x1x16xf32>,
          %get3A_200 = vector.shape_cast %get3A_199 : vector<1x1x16xf32> to vector<16xf32>
          %max3A = arith.constant 0.000000e+00 : f32
          %max3A_201 = vector.broadcast %max3A : f32 to vector<16xf32>
          %max3A_202 = arith.maximumf %get3A_200, %max3A_201 : vector<16xf32>
          %swap3A = arith.constant 1 : i32
          %swap3A_203 = arith.index_cast %swap3A : i32 to index
          %swap3A_204 = arith.index_cast %add3A_195 : i32 to index
          %swap3A_205 = arith.constant 0 : index
          %swap3A_206 = tpu.vector_load %arg12[%swap3A_203, %swap3A_204, %swap3A_205] {strides = array<i32>} : memref<2x128x16xf32, #tpu.memory_space<vmem>>, vector<1x1x16xf32>,
          %swap3A_207 = vector.shape_cast %swap3A_206 : vector<1x1x16xf32> to vector<16xf32>
          %swap3A_208 = vector.shape_cast %max3A_202 : vector<16xf32> to vector<1x1x16xf32>
          tpu.vector_store %arg12[%swap3A_203, %swap3A_204, %swap3A_205], %swap3A_208 {strides = array<i32>} : memref<2x128x16xf32, #tpu.memory_space<vmem>>, vector<1x1x16xf32>,
          %mul3A_209 = arith.constant 8 : i32
          %mul3A_210 = arith.muli %scan3A_191, %mul3A_209 : i32
          %add3A_211 = arith.constant 1 : i32
          %add3A_212 = arith.addi %mul3A_210, %add3A_211 : i32
          %get3A_213 = arith.constant 1 : i32
          %get3A_214 = arith.index_cast %get3A_213 : i32 to index
          %get3A_215 = arith.index_cast %add3A_212 : i32 to index
          %get3A_216 = arith.constant 0 : index
          %get3A_217 = tpu.vector_load %arg12[%get3A_214, %get3A_215, %get3A_216] {strides = array<i32>} : memref<2x128x16xf32, #tpu.memory_space<vmem>>, vector<1x1x16xf32>,
          %get3A_218 = vector.shape_cast %get3A_217 : vector<1x1x16xf32> to vector<16xf32>
          %max3A_219 = arith.constant 0.000000e+00 : f32
          %max3A_220 = vector.broadcast %max3A_219 : f32 to vector<16xf32>
          %max3A_221 = arith.maximumf %get3A_218, %max3A_220 : vector<16xf32>
          %swap3A_222 = arith.constant 1 : i32
          %swap3A_223 = arith.index_cast %swap3A_222 : i32 to index
          %swap3A_224 = arith.index_cast %add3A_212 : i32 to index
          %swap3A_225 = arith.constant 0 : index
          %swap3A_226 = tpu.vector_load %arg12[%swap3A_223, %swap3A_224, %swap3A_225] {strides = array<i32>} : memref<2x128x16xf32, #tpu.memory_space<vmem>>, vector<1x1x16xf32>,
          %swap3A_227 = vector.shape_cast %swap3A_226 : vector<1x1x16xf32> to vector<16xf32>
          %swap3A_228 = vector.shape_cast %max3A_221 : vector<16xf32> to vector<1x1x16xf32>
          tpu.vector_store %arg12[%swap3A_223, %swap3A_224, %swap3A_225], %swap3A_228 {strides = array<i32>} : memref<2x128x16xf32, #tpu.memory_space<vmem>>, vector<1x1x16xf32>,
          %mul3A_229 = arith.constant 8 : i32
          %mul3A_230 = arith.muli %scan3A_191, %mul3A_229 : i32
          %add3A_231 = arith.constant 2 : i32
          %add3A_232 = arith.addi %mul3A_230, %add3A_231 : i32
          %get3A_233 = arith.constant 1 : i32
          %get3A_234 = arith.index_cast %get3A_233 : i32 to index
          %get3A_235 = arith.index_cast %add3A_232 : i32 to index
          %get3A_236 = arith.constant 0 : index
          %get3A_237 = tpu.vector_load %arg12[%get3A_234, %get3A_235, %get3A_236] {strides = array<i32>} : memref<2x128x16xf32, #tpu.memory_space<vmem>>, vector<1x1x16xf32>,
          %get3A_238 = vector.shape_cast %get3A_237 : vector<1x1x16xf32> to vector<16xf32>
          %max3A_239 = arith.constant 0.000000e+00 : f32
          %max3A_240 = vector.broadcast %max3A_239 : f32 to vector<16xf32>
          %max3A_241 = arith.maximumf %get3A_238, %max3A_240 : vector<16xf32>
          %swap3A_242 = arith.constant 1 : i32
          %swap3A_243 = arith.index_cast %swap3A_242 : i32 to index
          %swap3A_244 = arith.index_cast %add3A_232 : i32 to index
          %swap3A_245 = arith.constant 0 : index
          %swap3A_246 = tpu.vector_load %arg12[%swap3A_243, %swap3A_244, %swap3A_245] {strides = array<i32>} : memref<2x128x16xf32, #tpu.memory_space<vmem>>, vector<1x1x16xf32>,
          %swap3A_247 = vector.shape_cast %swap3A_246 : vector<1x1x16xf32> to vector<16xf32>
          %swap3A_248 = vector.shape_cast %max3A_241 : vector<16xf32> to vector<1x1x16xf32>
          tpu.vector_store %arg12[%swap3A_243, %swap3A_244, %swap3A_245], %swap3A_248 {strides = array<i32>} : memref<2x128x16xf32, #tpu.memory_space<vmem>>, vector<1x1x16xf32>,
          %mul3A_249 = arith.constant 8 : i32
          %mul3A_250 = arith.muli %scan3A_191, %mul3A_249 : i32
          %add3A_251 = arith.constant 3 : i32
          %add3A_252 = arith.addi %mul3A_250, %add3A_251 : i32
          %get3A_253 = arith.constant 1 : i32
          %get3A_254 = arith.index_cast %get3A_253 : i32 to index
          %get3A_255 = arith.index_cast %add3A_252 : i32 to index
          %get3A_256 = arith.constant 0 : index
          %get3A_257 = tpu.vector_load %arg12[%get3A_254, %get3A_255, %get3A_256] {strides = array<i32>} : memref<2x128x16xf32, #tpu.memory_space<vmem>>, vector<1x1x16xf32>,
          %get3A_258 = vector.shape_cast %get3A_257 : vector<1x1x16xf32> to vector<16xf32>
          %max3A_259 = arith.constant 0.000000e+00 : f32
          %max3A_260 = vector.broadcast %max3A_259 : f32 to vector<16xf32>
          %max3A_261 = arith.maximumf %get3A_258, %max3A_260 : vector<16xf32>
          %swap3A_262 = arith.constant 1 : i32
          %swap3A_263 = arith.index_cast %swap3A_262 : i32 to index
          %swap3A_264 = arith.index_cast %add3A_252 : i32 to index
          %swap3A_265 = arith.constant 0 : index
          %swap3A_266 = tpu.vector_load %arg12[%swap3A_263, %swap3A_264, %swap3A_265] {strides = array<i32>} : memref<2x128x16xf32, #tpu.memory_space<vmem>>, vector<1x1x16xf32>,
          %swap3A_267 = vector.shape_cast %swap3A_266 : vector<1x1x16xf32> to vector<16xf32>
          %swap3A_268 = vector.shape_cast %max3A_261 : vector<16xf32> to vector<1x1x16xf32>
          tpu.vector_store %arg12[%swap3A_263, %swap3A_264, %swap3A_265], %swap3A_268 {strides = array<i32>} : memref<2x128x16xf32, #tpu.memory_space<vmem>>, vector<1x1x16xf32>,
          %mul3A_269 = arith.constant 8 : i32
          %mul3A_270 = arith.muli %scan3A_191, %mul3A_269 : i32
          %add3A_271 = arith.constant 4 : i32
          %add3A_272 = arith.addi %mul3A_270, %add3A_271 : i32
          %get3A_273 = arith.constant 1 : i32
          %get3A_274 = arith.index_cast %get3A_273 : i32 to index
          %get3A_275 = arith.index_cast %add3A_272 : i32 to index
          %get3A_276 = arith.constant 0 : index
          %get3A_277 = tpu.vector_load %arg12[%get3A_274, %get3A_275, %get3A_276] {strides = array<i32>} : memref<2x128x16xf32, #tpu.memory_space<vmem>>, vector<1x1x16xf32>,
          %get3A_278 = vector.shape_cast %get3A_277 : vector<1x1x16xf32> to vector<16xf32>
          %max3A_279 = arith.constant 0.000000e+00 : f32
          %max3A_280 = vector.broadcast %max3A_279 : f32 to vector<16xf32>
          %max3A_281 = arith.maximumf %get3A_278, %max3A_280 : vector<16xf32>
          %swap3A_282 = arith.constant 1 : i32
          %swap3A_283 = arith.index_cast %swap3A_282 : i32 to index
          %swap3A_284 = arith.index_cast %add3A_272 : i32 to index
          %swap3A_285 = arith.constant 0 : index
          %swap3A_286 = tpu.vector_load %arg12[%swap3A_283, %swap3A_284, %swap3A_285] {strides = array<i32>} : memref<2x128x16xf32, #tpu.memory_space<vmem>>, vector<1x1x16xf32>,
          %swap3A_287 = vector.shape_cast %swap3A_286 : vector<1x1x16xf32> to vector<16xf32>
          %swap3A_288 = vector.shape_cast %max3A_281 : vector<16xf32> to vector<1x1x16xf32>
          tpu.vector_store %arg12[%swap3A_283, %swap3A_284, %swap3A_285], %swap3A_288 {strides = array<i32>} : memref<2x128x16xf32, #tpu.memory_space<vmem>>, vector<1x1x16xf32>,
          %mul3A_289 = arith.constant 8 : i32
          %mul3A_290 = arith.muli %scan3A_191, %mul3A_289 : i32
          %add3A_291 = arith.constant 5 : i32
          %add3A_292 = arith.addi %mul3A_290, %add3A_291 : i32
          %get3A_293 = arith.constant 1 : i32
          %get3A_294 = arith.index_cast %get3A_293 : i32 to index
          %get3A_295 = arith.index_cast %add3A_292 : i32 to index
          %get3A_296 = arith.constant 0 : index
          %get3A_297 = tpu.vector_load %arg12[%get3A_294, %get3A_295, %get3A_296] {strides = array<i32>} : memref<2x128x16xf32, #tpu.memory_space<vmem>>, vector<1x1x16xf32>,
          %get3A_298 = vector.shape_cast %get3A_297 : vector<1x1x16xf32> to vector<16xf32>
          %max3A_299 = arith.constant 0.000000e+00 : f32
          %max3A_300 = vector.broadcast %max3A_299 : f32 to vector<16xf32>
          %max3A_301 = arith.maximumf %get3A_298, %max3A_300 : vector<16xf32>
          %swap3A_302 = arith.constant 1 : i32
          %swap3A_303 = arith.index_cast %swap3A_302 : i32 to index
          %swap3A_304 = arith.index_cast %add3A_292 : i32 to index
          %swap3A_305 = arith.constant 0 : index
          %swap3A_306 = tpu.vector_load %arg12[%swap3A_303, %swap3A_304, %swap3A_305] {strides = array<i32>} : memref<2x128x16xf32, #tpu.memory_space<vmem>>, vector<1x1x16xf32>,
          %swap3A_307 = vector.shape_cast %swap3A_306 : vector<1x1x16xf32> to vector<16xf32>
          %swap3A_308 = vector.shape_cast %max3A_301 : vector<16xf32> to vector<1x1x16xf32>
          tpu.vector_store %arg12[%swap3A_303, %swap3A_304, %swap3A_305], %swap3A_308 {strides = array<i32>} : memref<2x128x16xf32, #tpu.memory_space<vmem>>, vector<1x1x16xf32>,
          %mul3A_309 = arith.constant 8 : i32
          %mul3A_310 = arith.muli %scan3A_191, %mul3A_309 : i32
          %add3A_311 = arith.constant 6 : i32
          %add3A_312 = arith.addi %mul3A_310, %add3A_311 : i32
          %get3A_313 = arith.constant 1 : i32
          %get3A_314 = arith.index_cast %get3A_313 : i32 to index
          %get3A_315 = arith.index_cast %add3A_312 : i32 to index
          %get3A_316 = arith.constant 0 : index
          %get3A_317 = tpu.vector_load %arg12[%get3A_314, %get3A_315, %get3A_316] {strides = array<i32>} : memref<2x128x16xf32, #tpu.memory_space<vmem>>, vector<1x1x16xf32>,
          %get3A_318 = vector.shape_cast %get3A_317 : vector<1x1x16xf32> to vector<16xf32>
          %max3A_319 = arith.constant 0.000000e+00 : f32
          %max3A_320 = vector.broadcast %max3A_319 : f32 to vector<16xf32>
          %max3A_321 = arith.maximumf %get3A_318, %max3A_320 : vector<16xf32>
          %swap3A_322 = arith.constant 1 : i32
          %swap3A_323 = arith.index_cast %swap3A_322 : i32 to index
          %swap3A_324 = arith.index_cast %add3A_312 : i32 to index
          %swap3A_325 = arith.constant 0 : index
          %swap3A_326 = tpu.vector_load %arg12[%swap3A_323, %swap3A_324, %swap3A_325] {strides = array<i32>} : memref<2x128x16xf32, #tpu.memory_space<vmem>>, vector<1x1x16xf32>,
          %swap3A_327 = vector.shape_cast %swap3A_326 : vector<1x1x16xf32> to vector<16xf32>
          %swap3A_328 = vector.shape_cast %max3A_321 : vector<16xf32> to vector<1x1x16xf32>
          tpu.vector_store %arg12[%swap3A_323, %swap3A_324, %swap3A_325], %swap3A_328 {strides = array<i32>} : memref<2x128x16xf32, #tpu.memory_space<vmem>>, vector<1x1x16xf32>,
          %mul3A_329 = arith.constant 8 : i32
          %mul3A_330 = arith.muli %scan3A_191, %mul3A_329 : i32
          %add3A_331 = arith.constant 7 : i32
          %add3A_332 = arith.addi %mul3A_330, %add3A_331 : i32
          %get3A_333 = arith.constant 1 : i32
          %get3A_334 = arith.index_cast %get3A_333 : i32 to index
          %get3A_335 = arith.index_cast %add3A_332 : i32 to index
          %get3A_336 = arith.constant 0 : index
          %get3A_337 = tpu.vector_load %arg12[%get3A_334, %get3A_335, %get3A_336] {strides = array<i32>} : memref<2x128x16xf32, #tpu.memory_space<vmem>>, vector<1x1x16xf32>,
          %get3A_338 = vector.shape_cast %get3A_337 : vector<1x1x16xf32> to vector<16xf32>
          %max3A_339 = arith.constant 0.000000e+00 : f32
          %max3A_340 = vector.broadcast %max3A_339 : f32 to vector<16xf32>
          %max3A_341 = arith.maximumf %get3A_338, %max3A_340 : vector<16xf32>
          %swap3A_342 = arith.constant 1 : i32
          %swap3A_343 = arith.index_cast %swap3A_342 : i32 to index
          %swap3A_344 = arith.index_cast %add3A_332 : i32 to index
          %swap3A_345 = arith.constant 0 : index
          %swap3A_346 = tpu.vector_load %arg12[%swap3A_343, %swap3A_344, %swap3A_345] {strides = array<i32>} : memref<2x128x16xf32, #tpu.memory_space<vmem>>, vector<1x1x16xf32>,
          %swap3A_347 = vector.shape_cast %swap3A_346 : vector<1x1x16xf32> to vector<16xf32>
          %swap3A_348 = vector.shape_cast %max3A_341 : vector<16xf32> to vector<1x1x16xf32>
          tpu.vector_store %arg12[%swap3A_343, %swap3A_344, %swap3A_345], %swap3A_348 {strides = array<i32>} : memref<2x128x16xf32, #tpu.memory_space<vmem>>, vector<1x1x16xf32>,
        }
        %scan3A_180 = arith.constant 16 : i32
        %dma_start3A = arith.constant 1 : i32
        %dma_start3A_181 = arith.constant 0 : i32
        %dma_start3A_182 = arith.constant 0 : i32
        %dma_start3A_183 = tpu.memref_slice %arg12[%dma_start3A, %dma_start3A_181, %dma_start3A_182] : memref<2x128x16xf32, #tpu.memory_space<vmem>> -> memref<1x128x16xf32, #tpu.memory_space<vmem>>
        %dma_start3A_184 = tpu.memref_squeeze %dma_start3A_183 : memref<1x128x16xf32, #tpu.memory_space<vmem>> -> memref<128x16xf32, #tpu.memory_space<vmem>>
        %dma_start3A_185 = arith.constant 0 : i32
        %dma_start3A_186 = tpu.memref_slice %arg10[%add3A_109, %dma_start3A_185] : memref<157x128xi32, #tpu.memory_space<vmem>> -> memref<1x128xi32, #tpu.memory_space<vmem>>
        %dma_start3A_187 = tpu.memref_squeeze %dma_start3A_186 : memref<1x128xi32, #tpu.memory_space<vmem>> -> memref<128xi32, #tpu.memory_space<vmem>>
        %dma_start3A_188 = arith.constant 0 : i32
        %dma_start3A_189 = arith.constant 0 : i32
        %dma_start3A_190 = tpu.memref_slice %arg16[%dma_start3A_188, %dma_start3A_189] : memref<10000x16xf32, #tpu.memory_space<vmem_shared>> -> memref<10000x16xf32, #tpu.memory_space<vmem_shared>>
        tpu.enqueue_indirect_dma source(%dma_start3A_184 : memref<128x16xf32, #tpu.memory_space<vmem>>) target(%dma_start3A_190 : memref<10000x16xf32, #tpu.memory_space<vmem_shared>>) offsets(%dma_start3A_187 : memref<128xi32, #tpu.memory_space<vmem>>) semaphore(%arg24 : memref<!tpu.dma_semaphore, #tpu.memory_space<semaphore_mem>>) {add = true}
      } else {
      }
    }
    %scan3A_45 = arith.constant 79 : i32
    %barrier3A_46 = arith.constant 0 : index
    tpu.barrier barrier_id(%barrier3A_46)
    %lt3A_47 = arith.constant 10 : i32
    %lt3A_48 = arith.cmpi slt, %arg1, %lt3A_47 : i32
    %convert_element_type3A_49 = arith.extui %lt3A_48 : i1 to i32
    %cond3A_50 = arith.constant 0 : i32
    %cond3A_51 = arith.cmpi ne, %convert_element_type3A_49, %cond3A_50 : i32
    scf.if %cond3A_51 {
      %mul3A_52 = arith.constant 1000 : i32
      %mul3A_53 = arith.muli %arg1, %mul3A_52 : i32
      "tpu.region"() ({
        %run_scoped3A = tpu.sem_alloc : memref<!tpu.dma_semaphore, #tpu.memory_space<semaphore_mem>>
        %dma_start3A = arith.constant 0 : i32
        %dma_start3A_54 = tpu.memref_slice %arg7[%arg0, %mul3A_53, %dma_start3A] : memref<2x10000x64xf32, #tpu.memory_space<hbm>> -> memref<1x1000x64xf32, #tpu.memory_space<hbm>>
        %dma_start3A_55 = tpu.memref_squeeze %dma_start3A_54 : memref<1x1000x64xf32, #tpu.memory_space<hbm>> -> memref<1000x64xf32, #tpu.memory_space<hbm>>
        %dma_start3A_56 = arith.constant 0 : i32
        %dma_start3A_57 = tpu.memref_slice %arg15[%mul3A_53, %dma_start3A_56] : memref<10000x64xf32, #tpu.memory_space<vmem_shared>> -> memref<1000x64xf32, #tpu.memory_space<vmem_shared>>
        tpu.enqueue_dma source(%dma_start3A_57 : memref<1000x64xf32, #tpu.memory_space<vmem_shared>>) target(%dma_start3A_55 : memref<1000x64xf32, #tpu.memory_space<hbm>>) target_semaphore(%run_scoped3A : memref<!tpu.dma_semaphore, #tpu.memory_space<semaphore_mem>>)
        %dma_wait3A = arith.constant 0 : i32
        %dma_wait3A_58 = tpu.memref_slice %arg7[%arg0, %mul3A_53, %dma_wait3A] : memref<2x10000x64xf32, #tpu.memory_space<hbm>> -> memref<1x1000x64xf32, #tpu.memory_space<hbm>>
        %dma_wait3A_59 = tpu.memref_squeeze %dma_wait3A_58 : memref<1x1000x64xf32, #tpu.memory_space<hbm>> -> memref<1000x64xf32, #tpu.memory_space<hbm>>
        %dma_wait3A_60 = arith.constant 0 : i32
        %dma_wait3A_61 = tpu.memref_slice %arg15[%mul3A_53, %dma_wait3A_60] : memref<10000x64xf32, #tpu.memory_space<vmem_shared>> -> memref<1000x64xf32, #tpu.memory_space<vmem_shared>>
        tpu.wait_dma2 semaphore(%run_scoped3A : memref<!tpu.dma_semaphore, #tpu.memory_space<semaphore_mem>>) src(%dma_wait3A_61 : memref<1000x64xf32, #tpu.memory_space<vmem_shared>>) dst(%dma_wait3A_59 : memref<1000x64xf32, #tpu.memory_space<hbm>>)
        tpu.yield
      }) : () -> ()
      "tpu.region"() ({
        %run_scoped3A = tpu.sem_alloc : memref<!tpu.dma_semaphore, #tpu.memory_space<semaphore_mem>>
        %dma_start3A = arith.constant 0 : i32
        %dma_start3A_54 = tpu.memref_slice %arg8[%arg0, %mul3A_53, %dma_start3A] : memref<2x10000x16xf32, #tpu.memory_space<hbm>> -> memref<1x1000x16xf32, #tpu.memory_space<hbm>>
        %dma_start3A_55 = tpu.memref_squeeze %dma_start3A_54 : memref<1x1000x16xf32, #tpu.memory_space<hbm>> -> memref<1000x16xf32, #tpu.memory_space<hbm>>
        %dma_start3A_56 = arith.constant 0 : i32
        %dma_start3A_57 = tpu.memref_slice %arg16[%mul3A_53, %dma_start3A_56] : memref<10000x16xf32, #tpu.memory_space<vmem_shared>> -> memref<1000x16xf32, #tpu.memory_space<vmem_shared>>
        tpu.enqueue_dma source(%dma_start3A_57 : memref<1000x16xf32, #tpu.memory_space<vmem_shared>>) target(%dma_start3A_55 : memref<1000x16xf32, #tpu.memory_space<hbm>>) target_semaphore(%run_scoped3A : memref<!tpu.dma_semaphore, #tpu.memory_space<semaphore_mem>>)
        %dma_wait3A = arith.constant 0 : i32
        %dma_wait3A_58 = tpu.memref_slice %arg8[%arg0, %mul3A_53, %dma_wait3A] : memref<2x10000x16xf32, #tpu.memory_space<hbm>> -> memref<1x1000x16xf32, #tpu.memory_space<hbm>>
        %dma_wait3A_59 = tpu.memref_squeeze %dma_wait3A_58 : memref<1x1000x16xf32, #tpu.memory_space<hbm>> -> memref<1000x16xf32, #tpu.memory_space<hbm>>
        %dma_wait3A_60 = arith.constant 0 : i32
        %dma_wait3A_61 = tpu.memref_slice %arg16[%mul3A_53, %dma_wait3A_60] : memref<10000x16xf32, #tpu.memory_space<vmem_shared>> -> memref<1000x16xf32, #tpu.memory_space<vmem_shared>>
        tpu.wait_dma2 semaphore(%run_scoped3A : memref<!tpu.dma_semaphore, #tpu.memory_space<semaphore_mem>>) src(%dma_wait3A_61 : memref<1000x16xf32, #tpu.memory_space<vmem_shared>>) dst(%dma_wait3A_59 : memref<1000x16xf32, #tpu.memory_space<hbm>>)
        tpu.yield
      }) : () -> ()
    } else {
    }
    return
  }
}

module attributes {stable_mosaic.version = 14 : i64} {
  func.func @_prep_body(%arg0: memref<10000x128xf32, #tpu.memory_space<vmem>>, %arg1: memref<10000x64xf32, #tpu.memory_space<vmem>>, %arg2: memref<10000x64xf32, #tpu.memory_space<vmem>>) attributes {dimension_semantics = [], scalar_prefetch = 0 : i64, scratch_operands = 0 : i64, tpu.core_type = #tpu.core_type<tc>} {
    %get3A = arith.constant 0 : index
    %get3A_0 = arith.constant 0 : index
    %get3A_1 = vector.load %arg0[%get3A, %get3A_0] : memref<10000x128xf32, #tpu.memory_space<vmem>>, vector<10000x128xf32>
    %max3A = arith.constant 0.000000e+00 : f32
    %max3A_2 = vector.broadcast %max3A : f32 to vector<10000x128xf32>
    %max3A_3 = arith.maximumf %get3A_1, %max3A_2 : vector<10000x128xf32>
    %slice3A = vector.extract_strided_slice %max3A_3 {offsets = [0, 0], sizes = [10000, 64], strides = [1, 1]} : vector<10000x128xf32> to vector<10000x64xf32>
    %swap3A = arith.constant 0 : index
    %swap3A_4 = arith.constant 0 : index
    %swap3A_5 = vector.load %arg1[%swap3A, %swap3A_4] : memref<10000x64xf32, #tpu.memory_space<vmem>>, vector<10000x64xf32>
    tpu.vector_store %arg1[%swap3A, %swap3A_4], %slice3A {strides = array<i32>} : memref<10000x64xf32, #tpu.memory_space<vmem>>, vector<10000x64xf32>,
    %slice3A_6 = vector.extract_strided_slice %max3A_3 {offsets = [0, 64], sizes = [10000, 64], strides = [1, 1]} : vector<10000x128xf32> to vector<10000x64xf32>
    %swap3A_7 = arith.constant 0 : index
    %swap3A_8 = arith.constant 0 : index
    %swap3A_9 = vector.load %arg2[%swap3A_7, %swap3A_8] : memref<10000x64xf32, #tpu.memory_space<vmem>>, vector<10000x64xf32>
    tpu.vector_store %arg2[%swap3A_7, %swap3A_8], %slice3A_6 {strides = array<i32>} : memref<10000x64xf32, #tpu.memory_space<vmem>>, vector<10000x64xf32>,
    return
  }
}

module attributes {stable_mosaic.version = 14 : i64} {
  func.func @_mlp_body(%arg0: memref<2x10000x64xf32, #tpu.memory_space<vmem>>, %arg1: memref<2x10000x16xf32, #tpu.memory_space<vmem>>, %arg2: memref<10000x64xf32, #tpu.memory_space<vmem>>, %arg3: memref<10000x64xf32, #tpu.memory_space<vmem>>, %arg4: memref<64x128xf32, #tpu.memory_space<vmem>>, %arg5: memref<64x128xf32, #tpu.memory_space<vmem>>, %arg6: memref<16x128xf32, #tpu.memory_space<vmem>>, %arg7: memref<1x128xf32, #tpu.memory_space<vmem>>, %arg8: memref<128x128xf32, #tpu.memory_space<vmem>>, %arg9: memref<1x128xf32, #tpu.memory_space<vmem>>, %arg10: memref<10000x128xf32, #tpu.memory_space<vmem>>) attributes {dimension_semantics = [], scalar_prefetch = 0 : i64, scratch_operands = 0 : i64, tpu.core_type = #tpu.core_type<tc>} {
    %get3A = arith.constant 0 : index
    %get3A_0 = arith.constant 0 : index
    %get3A_1 = arith.constant 0 : index
    %get3A_2 = vector.load %arg0[%get3A, %get3A_0, %get3A_1] : memref<2x10000x64xf32, #tpu.memory_space<vmem>>, vector<1x10000x64xf32>
    %get3A_3 = vector.shape_cast %get3A_2 : vector<1x10000x64xf32> to vector<10000x64xf32>
    %get3A_4 = arith.constant 0 : index
    %get3A_5 = arith.constant 0 : index
    %get3A_6 = vector.load %arg2[%get3A_4, %get3A_5] : memref<10000x64xf32, #tpu.memory_space<vmem>>, vector<10000x64xf32>
    %add3A = arith.addf %get3A_3, %get3A_6 : vector<10000x64xf32>
    %get3A_7 = arith.constant 1 : index
    %get3A_8 = arith.constant 0 : index
    %get3A_9 = arith.constant 0 : index
    %get3A_10 = vector.load %arg0[%get3A_7, %get3A_8, %get3A_9] : memref<2x10000x64xf32, #tpu.memory_space<vmem>>, vector<1x10000x64xf32>
    %get3A_11 = vector.shape_cast %get3A_10 : vector<1x10000x64xf32> to vector<10000x64xf32>
    %get3A_12 = arith.constant 0 : index
    %get3A_13 = arith.constant 0 : index
    %get3A_14 = vector.load %arg3[%get3A_12, %get3A_13] : memref<10000x64xf32, #tpu.memory_space<vmem>>, vector<10000x64xf32>
    %add3A_15 = arith.addf %get3A_11, %get3A_14 : vector<10000x64xf32>
    %get3A_16 = arith.constant 0 : index
    %get3A_17 = arith.constant 0 : index
    %get3A_18 = arith.constant 0 : index
    %get3A_19 = vector.load %arg1[%get3A_16, %get3A_17, %get3A_18] : memref<2x10000x16xf32, #tpu.memory_space<vmem>>, vector<1x10000x16xf32>
    %get3A_20 = vector.shape_cast %get3A_19 : vector<1x10000x16xf32> to vector<10000x16xf32>
    %get3A_21 = arith.constant 1 : index
    %get3A_22 = arith.constant 0 : index
    %get3A_23 = arith.constant 0 : index
    %get3A_24 = vector.load %arg1[%get3A_21, %get3A_22, %get3A_23] : memref<2x10000x16xf32, #tpu.memory_space<vmem>>, vector<1x10000x16xf32>
    %get3A_25 = vector.shape_cast %get3A_24 : vector<1x10000x16xf32> to vector<10000x16xf32>
    %add3A_26 = arith.addf %get3A_20, %get3A_25 : vector<10000x16xf32>
    %get3A_27 = arith.constant 0 : index
    %get3A_28 = arith.constant 0 : index
    %get3A_29 = vector.load %arg4[%get3A_27, %get3A_28] : memref<64x128xf32, #tpu.memory_space<vmem>>, vector<64x128xf32>
    %dot_general3A = arith.constant dense<0.000000e+00> : vector<10000x128xf32>
    %dot_general3A_30 = tpu.matmul %add3A, %get3A_29, %dot_general3A {dimension_numbers = #tpu.dot_dimension_numbers<[1], [0], [0], [1], [0, 0, 1, 1], [], []>, transpose_lhs_hint = false} : vector<10000x64xf32>, vector<64x128xf32>, vector<10000x128xf32> -> vector<10000x128xf32>
    %get3A_31 = arith.constant 0 : index
    %get3A_32 = arith.constant 0 : index
    %get3A_33 = vector.load %arg5[%get3A_31, %get3A_32] : memref<64x128xf32, #tpu.memory_space<vmem>>, vector<64x128xf32>
    %dot_general3A_34 = arith.constant dense<0.000000e+00> : vector<10000x128xf32>
    %dot_general3A_35 = tpu.matmul %add3A_15, %get3A_33, %dot_general3A_34 {dimension_numbers = #tpu.dot_dimension_numbers<[1], [0], [0], [1], [0, 0, 1, 1], [], []>, transpose_lhs_hint = false} : vector<10000x64xf32>, vector<64x128xf32>, vector<10000x128xf32> -> vector<10000x128xf32>
    %add3A_36 = arith.addf %dot_general3A_30, %dot_general3A_35 : vector<10000x128xf32>
    %get3A_37 = arith.constant 0 : index
    %get3A_38 = arith.constant 0 : index
    %get3A_39 = vector.load %arg6[%get3A_37, %get3A_38] : memref<16x128xf32, #tpu.memory_space<vmem>>, vector<16x128xf32>
    %dot_general3A_40 = arith.constant dense<0.000000e+00> : vector<10000x128xf32>
    %dot_general3A_41 = tpu.matmul %add3A_26, %get3A_39, %dot_general3A_40 {dimension_numbers = #tpu.dot_dimension_numbers<[1], [0], [0], [1], [0, 0, 1, 1], [], []>, transpose_lhs_hint = false} : vector<10000x16xf32>, vector<16x128xf32>, vector<10000x128xf32> -> vector<10000x128xf32>
    %add3A_42 = arith.addf %add3A_36, %dot_general3A_41 : vector<10000x128xf32>
    %get3A_43 = arith.constant 0 : index
    %get3A_44 = arith.constant 0 : index
    %get3A_45 = vector.load %arg7[%get3A_43, %get3A_44] : memref<1x128xf32, #tpu.memory_space<vmem>>, vector<1x128xf32>
    %add3A_46 = vector.broadcast %get3A_45 : vector<1x128xf32> to vector<10000x128xf32>
    %add3A_47 = arith.addf %add3A_42, %add3A_46 : vector<10000x128xf32>
    %max3A = arith.constant 0.000000e+00 : f32
    %max3A_48 = vector.broadcast %max3A : f32 to vector<10000x128xf32>
    %max3A_49 = arith.maximumf %add3A_47, %max3A_48 : vector<10000x128xf32>
    %get3A_50 = arith.constant 0 : index
    %get3A_51 = arith.constant 0 : index
    %get3A_52 = vector.load %arg8[%get3A_50, %get3A_51] : memref<128x128xf32, #tpu.memory_space<vmem>>, vector<128x128xf32>
    %dot_general3A_53 = arith.constant dense<0.000000e+00> : vector<10000x128xf32>
    %dot_general3A_54 = tpu.matmul %max3A_49, %get3A_52, %dot_general3A_53 {dimension_numbers = #tpu.dot_dimension_numbers<[1], [0], [0], [1], [0, 0, 1, 1], [], []>, transpose_lhs_hint = false} : vector<10000x128xf32>, vector<128x128xf32>, vector<10000x128xf32> -> vector<10000x128xf32>
    %get3A_55 = arith.constant 0 : index
    %get3A_56 = arith.constant 0 : index
    %get3A_57 = vector.load %arg9[%get3A_55, %get3A_56] : memref<1x128xf32, #tpu.memory_space<vmem>>, vector<1x128xf32>
    %add3A_58 = vector.broadcast %get3A_57 : vector<1x128xf32> to vector<10000x128xf32>
    %add3A_59 = arith.addf %dot_general3A_54, %add3A_58 : vector<10000x128xf32>
    %swap3A = arith.constant 0 : index
    %swap3A_60 = arith.constant 0 : index
    %swap3A_61 = vector.load %arg10[%swap3A, %swap3A_60] : memref<10000x128xf32, #tpu.memory_space<vmem>>, vector<10000x128xf32>
    tpu.vector_store %arg10[%swap3A, %swap3A_60], %add3A_59 {strides = array<i32>} : memref<10000x128xf32, #tpu.memory_space<vmem>>, vector<10000x128xf32>,
    return
  }
}

</mosaic_0001>

<sc_bundles>
// kernel: kernel.5.cloned.1.call-start
scs
__scs_entry_jumppad:
0x0: {  	(pc) =	sbr.rel $0x88, $3  }
0x1: {  	(tag) =	ssettag $0x0;
	lr =	simm.s32 $0x1  }
0x2: {  	[smem:$0x3F9A] =	sst lr;
	_ =	strace $0xD0000000  }
0x3: {  	_ = 	snop  }
0x4: {  	_ = 	snop  }
0x5: {  	_ = 	snop  }
0x6: {  	_ = 	snop  }
0x7: {  	_ = 	snop  }
__scs_overlays_trampoline_lowered:
0x8: {  	[smem:$0x3FA9] =	sst s0  }
0x9: {  	[smem:$0x3FAA] =	sst s1  }
0xa: {  	[smem:$0x3FAB] =	sst s2  }
0xb: {  	[smem:$0x3FAC] =	sst s3  }
0xc: {  	[smem:$0x3FAD] =	sst s4  }
0xd: {  	[smem:$0x3FAE] =	sst s5  }
0xe: {  	[smem:$0x3FAF] =	sst s6  }
0xf: {  	[smem:$0x3FB0] =	sst s7  }
0x10: {  	[smem:$0x3FB1] =	sst s8  }
0x11: {  	[smem:$0x3FB2] =	sst s9;
	s0 =	simm.s32 @!p0 $0x0  }
0x12: {  	s1 =	sld [smem:$0x3F98];
	s0 =	simm.s32 @p0 $0x1  }
0x13: {  	[smem:$0x3FB3] =	sst s0;
	s0 =	simm.s32 @!p1 $0x0  }
0x14: {  	s2 =	sld [smem:$0x3F97];
	s0 =	simm.s32 @p1 $0x1  }
0x15: {  	[smem:$0x3FB4] =	sst s0;
	s0 =	simm.s32 @!p2 $0x0  }
0x16: {  	s3 =	sld [smem:$0x3FDB];
	s0 =	simm.s32 @p2 $0x1  }
0x17: {  	s4 =	simm.s32 $0x1BF5;
	[smem:$0x3FB6] =	sst s0  }
0x18: {  	s0 =	sld [smem:$0x3F99];
	_ =	swait.ge [sflag:s4], $0x0  }
0x19: {  	s7 =	sld [smem:$0x3F9A]  }
0x1a: {  	s8 =	sadd.s32 $0xFFFFE003, lr  }
0x1b: {  	s9 =	sadd.s32 $0xFFFFFEF7, lr;
	s5 =	simm.s32 $0xFFFFFFFF;
	p2 =	slt.u32 s8, $0xFFFFF086  }
0x1c: {  	p1 =	slt.u32 s9, $0xF7A;
	s5 =	simm.s32 @!p2 $0x0  }
0x1d: {  	s5 =	simm.s32 @p1 $0x1;
	p0 =	seq.s32 s7, s2  }
0x1e: {  	s7 =	smul.u32 @!p0 $0xF7A, s2;
	p2 =	seq.s32 @!p0 s5, $0x0  }
0x1f: {  	s9 =	smul.u32 $0xF7A, s1;
	s8 =	simm.s32 @!p0 $0x1BF5;
	p2 =	por !p2, p0  }
0x20: {  	[sflag:s8] =	ssyncset.s32 @!p0 $0xFFFFF086;
	s6 =	sadd.s32 @!p0 s3, s7;
	s7 =	simm.s32 @!p0 $0x108  }
0x21: {  	s3 =	sadd.s32 s3, s9;
	s6 =	sadd.s32 @!p0 $0x88, s6;
	s7 =	simm.s32 @p2 $0x1082  }
0x22: {  	[simem:s7], [sflag:s8] =	dma.local @!p0 [hbm:s6], $0xF7A  }
0x23: {  	s9 =	sor.u32 $0xD0000000, s2;
	s6 =	simm.s32 $0x108;
	_ =	swait.ge @!p0 [sflag:s8], $0x0  }
0x24: {  	s3 =	sadd.s32 $0x88, s3;
	s6 =	simm.s32 @!p1 $0x1082;
	[sflag:s4] =	ssyncset.s32 $0xFFFFF086  }
0x25: {  	[simem:s6], [sflag:s4] =	dma.local [hbm:s3], $0xF7A  }
0x26: {  	[smem:$0x3F9A] =	sst s1;
	(tag) =	ssettag s2;
	_ =	strace s9  }
0x27: {  	s1 =	sld [smem:$0x3FAA]  }
0x28: {  	s2 =	sld [smem:$0x3FAB]  }
0x29: {  	s4 =	sld [smem:$0x3FAD]  }
0x2a: {  	p0 =	seq.s32 s5, $0x0;
	s5 =	sld [smem:$0x3FAE]  }
0x2b: {  	s6 =	sld [smem:$0x3FAF]  }
0x2c: {  	s7 =	sld [smem:$0x3FB0]  }
0x2d: {  	s3 =	simm.s32 $0x108;
	s8 =	sld [smem:$0x3FB1]  }
0x2e: {  	s3 =	simm.s32 @!p0 $0x1082;
	s9 =	sld [smem:$0x3FB2]  }
0x2f: {  	lr =	sadd.s32 s0, s3;
	s0 =	sld [smem:$0x3FA9]  }
0x30: {  	s3 =	sld [smem:$0x3FAC]  }
0x31: {  	[smem:$0x3FB5] =	sst s10  }
0x32: {  	s10 =	sld [smem:$0x3FB3];
	_ =	sdelay $0x3  }
0x33: {  	p0 =	seq.s32 s10, $0x1;
	s10 =	sld [smem:$0x3FB5];
	_ =	sdelay $0x3  }
0x34: {  	[smem:$0x3FB5] =	sst s10  }
0x35: {  	s10 =	sld [smem:$0x3FB4];
	_ =	sdelay $0x3  }
0x36: {  	p1 =	seq.s32 s10, $0x1;
	s10 =	sld [smem:$0x3FB5];
	_ =	sdelay $0x3  }
0x37: {  	[smem:$0x3FB5] =	sst s10  }
0x38: {  	s10 =	sld [smem:$0x3FB6]  }
0x39: {  	_ = 	snop;
	(pc) =	sbr.ind lr, $3  }
0x3a: {  	_ = 	snop  }
0x3b: {  	_ = 	snop  }
0x3c: {  	p2 =	seq.s32 s10, $0x1;
	s10 =	sld [smem:$0x3FB5]  }
0x3d: {  	_ =	shalt  }
0x3e: {  	_ =	shalt  }
0x3f: {  	_ =	shalt  }
0x40: {  	_ =	shalt  }
0x41: {  	_ =	shalt  }
0x42: {  	_ =	shalt  }
0x43: {  	_ =	shalt  }
0x44: {  	_ =	shalt  }
0x45: {  	_ =	shalt  }
0x46: {  	_ =	shalt  }
0x47: {  	_ =	shalt  }
0x48: {  	_ =	shalt  }
0x49: {  	_ =	shalt  }
0x4a: {  	_ =	shalt  }
0x4b: {  	_ =	shalt  }
0x4c: {  	_ =	shalt  }
0x4d: {  	_ =	shalt  }
0x4e: {  	_ =	shalt  }
0x4f: {  	_ =	shalt  }
0x50: {  	_ =	shalt  }
0x51: {  	_ =	shalt  }
0x52: {  	_ =	shalt  }
0x53: {  	_ =	shalt  }
0x54: {  	_ =	shalt  }
0x55: {  	_ =	shalt  }
0x56: {  	_ =	shalt  }
0x57: {  	_ =	shalt  }
0x58: {  	_ =	shalt  }
0x59: {  	_ =	shalt  }
0x5a: {  	_ =	shalt  }
0x5b: {  	_ =	shalt  }
0x5c: {  	_ =	shalt  }
0x5d: {  	_ =	shalt  }
0x5e: {  	_ =	shalt  }
0x5f: {  	_ =	shalt  }
0x60: {  	_ =	shalt  }
0x61: {  	_ =	shalt  }
0x62: {  	_ =	shalt  }
0x63: {  	_ =	shalt  }
0x64: {  	_ =	shalt  }
0x65: {  	_ =	shalt  }
0x66: {  	_ =	shalt  }
0x67: {  	_ =	shalt  }
0x68: {  	_ =	shalt  }
0x69: {  	_ =	shalt  }
0x6a: {  	_ =	shalt  }
0x6b: {  	_ =	shalt  }
0x6c: {  	_ =	shalt  }
0x6d: {  	_ =	shalt  }
0x6e: {  	_ =	shalt  }
0x6f: {  	_ =	shalt  }
0x70: {  	_ =	shalt  }
0x71: {  	_ =	shalt  }
0x72: {  	_ =	shalt  }
0x73: {  	_ =	shalt  }
0x74: {  	_ =	shalt  }
0x75: {  	_ =	shalt  }
0x76: {  	_ =	shalt  }
0x77: {  	_ =	shalt  }
0x78: {  	_ =	shalt  }
0x79: {  	_ =	shalt  }
0x7a: {  	_ =	shalt  }
0x7b: {  	_ =	shalt  }
0x7c: {  	_ =	shalt  }
0x7d: {  	_ =	shalt  }
0x7e: {  	_ =	shalt  }
0x7f: {  	_ =	shalt  }
0x80: {  	_ =	shalt  }
0x81: {  	_ =	shalt  }
0x82: {  	_ =	shalt  }
0x83: {  	_ =	shalt  }
0x84: {  	_ =	shalt  }
0x85: {  	_ =	shalt  }
0x86: {  	_ =	shalt  }
0x87: {  	_ =	shalt  }
.Lfunc_end0:
.L_simem_size_0:
called_computation_lowered:
.L_overlay_start_0:
0x88: {  	s2 =	sld [smem:$0x3FD9]  }
0x89: {  	s3 =	sld [smem:$0x3FFE];
	_ =	sdelay $0x1  }
0x8a: {  	s1 =	srdreg.scid  }
0x8b: {  	s0 =	sand.u32 $0x1, s1  }
0x8c: {  	s17 =	sshll.u32 s0, $0xA;
	s2 =	sadd.s32 s3, s2  }
0x8d: {  	s2 =	sadd.s32 s2, s17  }
0x8e: {  	[smem:$0x3FC1] =	sst s2  }
0x8f: {  	_ = 	snop  }
0x90: {  	s2 =	sld [smem:$0x3FD0];
	(tm) =	ssettm $0x1  }
0x91: {  	s18 =	sld [smem:$0x3FFB];
	_ =	sdelay $0x3  }
0x92: {  	_ =	strace s18  }
0x93: {  	s3 =	sld [smem:$0x3FFC];
	_ =	sdelay $0x3  }
0x94: {  	_ =	strace s3  }
0x95: {  	s3 =	sld [smem:$0x3FFD];
	_ =	sdelay $0x3  }
0x96: {  	_ =	strace s3  }
0x97: {  	_ =	strace $0x8FFFFFFF  }
0x98: {  	s19 =	sld [smem:$0x3FDB];
	_ =	sdelay $0x1  }
0x99: {  	s4 =	simm.s32 $_scs_section_size  }
0x9a: {  	s5 =	simm.s32 $_size__tile_overlayer_lowered;
	s6 =	simm.s32 $_tile_overlayer_lowered  }
0x9b: {  	s22 =	simm.s32 $0x1BFF;
	s21 =	sshll.u32 s6, $0x1;
	s3 =	sadd.s32 s4, s19  }
0x9c: {  	s7 =	simm.s32 $0x0;
	s20 =	sshll.u32 s5, $0x1;
	s5 =	sadd.s32 s21, s3  }
0x9d: {  	[timem:s7], [sflag:s22] =	dma.local [hbm:s5], s20  }
0x9e: {  	_ =	swait.ge [sflag:s22], s20  }
0x9f: {  	s4 =	ssub.s32 $0x0, s20;
	[sflag:s22] =	ssyncset.done $0x0  }
0xa0: {  	[sflag:s22] =	ssyncadd.s32 s4;
	_ =	sdelay $0x1  }
0xa1: {  	s23 =	simm.s32 $0x1B8B  }
0xa2: {  	_ =	swait.ge [sflag:s23], $0x1  }
0xa3: {  	[sflag:s23] =	ssyncset.done $0x0  }
0xa4: {  	s25 =	simm.s32 $0x1B8E;
	s24 =	sld [smem:$0x3FFE];
	[sflag:s23] =	ssyncadd.s32 $0xFFFFFFFF  }
0xa5: {  	s26 =	simm.s32 $execute0_lowered;
	[smem:$0x3FD2] =	sst s25  }
0xa6: {  	s5 =	sshll.u32 s26, $0x1;
	_ =	strace $0x80000046;
	[dreg:$0x1] =	wrdreg $0xFFFFFFFF  }
0xa7: {  	s28 =	simm.s32 $_size_execute0_lowered;
	s3 =	sadd.s32 s3, s5;
	[dreg:$0x0] =	wrdreg $0x0  }
0xa8: {  	s5 =	sshll.u32 s28, $0x1;
	[dreg:$0x2] =	wrdreg s3  }
0xa9: {  	[dreg:$0x3] =	wrdreg s5  }
0xaa: {  	[dreg:$0x4] =	wrdreg $0xC0  }
0xab: {  	_ =	task [dreg:s7], $0x5FFFF  }
0xac: {  	[dreg:$0x1] =	wrdreg $0xFFFFFFFF  }
0xad: {  	[dreg:$0x0] =	wrdreg $0x60  }
0xae: {  	[dreg:$0x2] =	wrdreg s24  }
0xaf: {  	[dreg:$0x3] =	wrdreg s2  }
0xb0: {  	[dreg:$0x4] =	wrdreg $0x114100  }
0xb1: {  	[dreg:$0x5] =	wrdreg $0x1B0500  }
0xb2: {  	[dreg:$0x6] =	wrdreg $0x9  }
0xb3: {  	_ =	task.clear_ibuf [dreg:s7], $0x7FFFF;
	_ =	strace $0x90000046  }
0xb4: {  	s29 =	simm.s32 $0x9;
	_ =	strace $0x80000048  }
0xb5: {  	_ =	swait.ge [sflag:s29], $0x1  }
0xb6: {  	[sflag:s29] =	ssyncadd.s32 $0xFFFFFFFF  }
0xb7: {  	_ =	strace $0x90000048  }
0xb8: {  	_ =	sfence  }
0xb9: {  	s30 =	sld [smem:$0x0];
	_ =	sdelay $0x2  }
0xba: {  	s31 =	sshll.u32 s1, $0xD;
	s1 =	sshrl.u32 s1, $0x2  }
0xbb: {  	s3 =	sand.u32 $0x4000, s31;
	s1 =	sadd.s32 s1, s30  }
0xbc: {  	s0 =	sor.u32 s3, s0;
	s1 =	sshll.u32 s1, $0x11  }
0xbd: {  	s0 =	sor.u32 s1, s0  }
0xbe: {  	s0 =	sadd.s32 $0x8F2B, s0  }
0xbf: {  	[sflag:s0] =	ssyncadd.remote.s32 $0x1  }
0xc0: {  	_ =	sfence.sel $0xFFFF  }
0xc1: {  	[dreg:$0x0] =	wrdreg $0xFFFFFFFF;
	(pc) =	sbr.abs _section_cstart, $3  }
0xc2: {  	[dreg:$0x1] =	wrdreg $0xFFFFFFFF  }
0xc3: {  	_ =	task.clear_ibuf [dreg:s7], $0x2FFFF;
	_ =	strace $0x9FFFFFFF  }
0xc4: {  	(tm) =	ssettm $0x7FFFFFFF  }
0xc5: {  	_ =	shalt  }
tec
execute0_lowered:
.L_overlay_start_1:
0x0: {  	(tag) =	ssettag $0x1  }
0x1: {  	s10 =	rddreg [dreg:$0x0]  }
0x2: {  	s11 =	rddreg [dreg:$0x1]  }
0x3: {  	s2 =	rddreg [dreg:$0x2];
	s18 =	stileid.u32  }
0x4: {  	s3 =	rddreg [dreg:$0x3];
	s0 =	smul.u32 $0x9C, s18  }
0x5: {  	s1 =	srdreg.scid;
	s13 =	smul.u32 $0x3E800, s18  }
0x6: {  	s5 =	simm.s32 $0x0;
	s6 =	smin.u32 s18, $0x4;
	s9 =	smul.u32 $0xFA00, s18  }
0x7: {  	s4 =	sand.u32 $0x1, s1;
	[smem:$0x7FF] =	sst s5;
	s15 =	smul.u32 $0x3E8, s18  }
0x8: {  	s1 =	smul.u32 $0x27100, s4;
	_ =	strace $0x80000047;
	s8 =	ssub.s32 $0x2, s4  }
0x9: {  	p0 =	seq.s32 s4, $0x0;
	p1 =	seq.s32 s4, $0x1;
	s6 =	sadd.s32 s6, s0  }
0xa: {  	s0 =	smul.u32 $0x3E80, s18;
	s14 =	sshrl.u32 s8, $0x1;
	s13 =	sshrl.u32 s13, $0x2  }
0xb: {  	s17 =	sshrl.u32 s9, $0x2;
	s20 =	sadd.s32 $0x7D, s15;
	s16 =	sadd.s32 $0xFA, s15  }
0xc: {  	s24 =	sadd.s32 $0x177, s15;
	s30 =	sadd.s32 $0x1F4, s15;
	s7 =	sshll.u32 s6, $0x4  }
0xd: {  	s8 =	ssub.s32 s8, s14;
	s13 =	sadd.s32 s13, s2;
	s19 =	sadd.s32 s17, s3  }
0xe: {  	s21 =	sshll.u32 s20, $0x6;
	s22 =	sshll.u32 s16, $0x6;
	s23 =	sshll.u32 s16, $0x4  }
0xf: {  	s17 =	smul.u32 $0x9C400, s4;
	s26 =	sshll.u32 s24, $0x6;
	s28 =	sshll.u32 s24, $0x4  }
0x10: {  	s16 =	simm.s32 $0x14E00;
	s31 =	sshll.u32 s30, $0x6;
	s24 =	simm.s32 $0x9D  }
0x11: {  	p2 =	slt.u32 s6, $0x4E2;
	s12 =	sadd.s32 s7, s10;
	[dreg:$0x5] =	wrdreg s13  }
0x12: {  	s7 =	sadd.s32 $0x51E400, s10;
	s1 =	sadd.s32 s0, s1;
	[dreg:$0x6] =	wrdreg s19  }
0x13: {  	s13 =	sshll.u32 s20, $0x4;
	s14 =	sadd.s32 s21, s2;
	s25 =	sadd.s32 s23, s3  }
0x14: {  	s16 =	simm.s32 @!p0 $0x1400;
	s20 =	sadd.s32 $0x2EE, s15;
	p0 =	slt.u32 s18, $0x4  }
0x15: {  	s0 =	sadd.s32 s0, s3;
	s1 =	sshrl.u32 s1, $0x3;
	[dreg:$0x7] =	wrdreg s14  }
0x16: {  	s13 =	sadd.s32 s13, s3;
	[dreg:$0xa] =	wrdreg s25;
	s29 =	sadd.s32 s9, s17  }
0x17: {  	s17 =	sadd.s32 s16, s10;
	s21 =	sshll.u32 s20, $0x6;
	s24 =	simm.s32 @!p0 $0x9C  }
0x18: {  	p0 =	por !p1, !p1;
	s9 =	sadd.s32 s9, s2;
	s1 =	sadd.s32 s1, s10  }
0x19: {  	[dreg:$0x8] =	wrdreg s13;
	s13 =	sadd.s32 s22, s2;
	s14 =	sshrl.u32 s29, $0x3  }
0x1a: {  	s10 =	sadd.s32 s31, s2;
	s22 =	sadd.s32 $0x36B, s15;
	s29 =	sadd.s32 $0x28800, s12  }
0x1b: {  	p0 =	por @!p2 p1, p1;
	p1 =	sgt.u32 s18, $0x9;
	[dreg:$0x9] =	wrdreg s13  }
0x1c: {  	s31 =	smax.u32 s8, $0x1;
	s18 =	simm.s32 $0x9D00;
	[dreg:$0xe] =	wrdreg s10  }
0x1d: {  	s13 =	sadd.s32 s26, s2;
	s11 =	sadd.s32 s11, s14;
	[dreg:$0x17] =	wrdreg s29  }
0x1e: {  	s14 =	sadd.s32 $0x271, s15;
	s23 =	sshll.u32 s22, $0x6;
	[dreg:$0x1a] =	wrdreg s31  }
0x1f: {  	s25 =	sshll.u32 s22, $0x4;
	s1 =	sadd.s32 $0x3C400, s1;
	[dreg:$0xb] =	wrdreg s13  }
0x20: {  	s0 =	sshrl.u32 @!p1 s0, $0x3;
	s22 =	simm.s32 $0x3;
	[dreg:$0xc] =	wrdreg s11  }
0x21: {  	s13 =	sadd.s32 s28, s3;
	s16 =	sshll.u32 s14, $0x6;
	[dreg:$0x19] =	wrdreg s1  }
0x22: {  	s11 =	sshll.u32 s14, $0x4;
	s26 =	sadd.s32 s25, s3;
	[dreg:$0x1c] =	wrdreg s0  }
0x23: {  	s28 =	sadd.s32 $0x32600, s12;
	s1 =	sshrl.u32 @!p1 s9, $0x3;
	[dreg:$0xd] =	wrdreg s13  }
0x24: {  	s12 =	simm.s32 $0x9;
	s25 =	simm.s32 $0x6;
	[dreg:$0x15] =	wrdreg s26  }
0x25: {  	s14 =	simm.s32 $0x0;
	s13 =	sshll.u32 s30, $0x4;
	[dreg:$0x16] =	wrdreg s28  }
0x26: {  	s19 =	sadd.s32 s11, s3;
	s11 =	sadd.s32 s21, s2;
	[dreg:$0x1b] =	wrdreg s1  }
0x27: {  	s30 =	sshll.u32 s6, $0x8;
	s21 =	simm.s32 $0xDD00;
	[dreg:$0x11] =	wrdreg s19  }
0x28: {  	s26 =	simm.s32 $0xE500;
	s10 =	sadd.s32 s13, s3;
	[dreg:$0x12] =	wrdreg s11  }
0x29: {  	s11 =	simm.s32 $0xED00;
	[dreg:$0xf] =	wrdreg s10;
	s10 =	sadd.s32 s16, s2  }
.Ltmp0:
0x2a: {  	[dreg:$0x10] =	wrdreg s10;
	s10 =	sshll.u32 s20, $0x4;
	(pc) =	sbr.rel .LBB2_1-.Ltmp0, $4  }
0x2b: {  	s13 =	simm.s32 $0x10C40;
	s19 =	simm.s32 $0x1;
	s10 =	sadd.s32 s10, s3  }
0x2c: {  	s16 =	simm.s32 $0x80;
	[dreg:$0x13] =	wrdreg s10;
	s10 =	sadd.s32 s23, s2  }
0x2d: {  	s20 =	simm.s32 $0x5;
	[dreg:$0x14] =	wrdreg s10;
	s10 =	sadd.s32 s7, s30  }
0x2e: {  	v0 =	vimm.f32 $0.0e+00;
	s23 =	simm.s32 $0x7;
	[dreg:$0x18] =	wrdreg s10;
	s10 =	sadd.s32 $0xFFFFFFFF, s6  }
.LBB2_17:
0x2f: {  	s0 =	stileid.u32;
	[bflag:$0x0] =	sbarrier.arrive $0xFFFF  }
0x30: {  	s0 =	sshll.u32 @!p1 s0, $0x6;
	s1 =	rddreg [dreg:$0xc]  }
0x31: {  	s8 =	rddreg [dreg:$0x1b];
	s0 =	sor.u32 @!p1 $0x1C09, s0  }
0x32: {  	[hbm:s1], [sflag:s0] =	dma.local @!p1 [spmem:s8], $0x1F40  }
0x33: {  	s1 =	simm.s32 @!p1 $0x9  }
0x34: {  	_ =	swait.ge @!p1 [sflag:s1], $0x1F40  }
0x35: {  	[sflag:s1] =	ssyncset.done @!p1 $0x0;
	s8 =	rddreg [dreg:$0x19]  }
0x36: {  	s9 =	rddreg [dreg:$0x1c];
	[sflag:s1] =	ssyncadd.s32 @!p1 $0xFFFFE0C0  }
0x37: {  	[hbm:s8], [sflag:s0] =	dma.local @!p1 [spmem:s9], $0x7D0  }
0x38: {  	_ =	swait.ge @!p1 [sflag:s1], $0x7D0  }
0x39: {  	s14 =	sadd.s32 $0x1, s14;
	s31 =	rddreg [dreg:$0x1a]  }
0x3a: {  	p2 =	sne.s32 s14, s31  }
.Ltmp1:
0x3b: {  	_ = 	snop;
	(pc) =	sbr.rel @!p2 .LBB2_18-.Ltmp1, $3  }
0x3c: {  	_ =	sdelay $0x1  }
0x3d: {  	[sflag:s1] =	ssyncset.done @!p1 $0x0  }
0x3e: {  	[sflag:s1] =	ssyncadd.s32 @!p1 $0xFFFFF830  }
.LBB2_1:
.Ltmp2:
0x3f: {  	(pc) =	sbr.rel @p1 .LBB2_5-.Ltmp2, $2  }
0x40: {  	_ =	sdelay $0x2  }
0x41: {  	s0 =	simm.s32 $0xED20  }
0x42: {  	[tilespmem:s0+$0x0] =	vst v0  }
0x43: {  	[tilespmem:s0+$0xFFFFFFE0] =	vst v0  }
0x44: {  	[tilespmem:s0+$0x10] =	vst v0  }
0x45: {  	s1 =	simm.s32 $0x40;
	[tilespmem:s0+$0xFFFFFFF0] =	vst v0;
	s8 =	simm.s32 $0x0  }
.LBB2_3:
0x46: {  	p2 =	sne.s32 s1, $0x1F00  }
0x47: {  	[tilespmem:s8+$0x10C40] =	vst v0;
	s0 =	sadd.s32 $0x40, s0;
	s8 =	smov.u32 s1;
	s1 =	sadd.s32 $0x40, s1  }
.Ltmp3:
0x48: {  	[tilespmem:s0+$0x0] =	vst v0;
	(pc) =	sbr.rel @p2 .LBB2_3-.Ltmp3, $4  }
0x49: {  	_ = 	snop  }
0x4a: {  	[tilespmem:s0+$0xFFFFFFE0] =	vst v0  }
0x4b: {  	[tilespmem:s0+$0x10] =	vst v0  }
0x4c: {  	s8 =	sshra.s32 s8, $0x2;
	[tilespmem:s0+$0xFFFFFFF0] =	vst v0  }
0x4d: {  	[tilespmem:s8+$0x10C40] =	vst v0;
	s0 =	rddreg [dreg:$0x5]  }
0x4e: {  	[spmem:s0] =	stream.linear.scatter [tilespmem:s11], [sflag:$0x9], $0x1F40, $0x38;
	[tilespmem:$0x1D760] =	vst v63  }
0x4f: {  	_ =	swait.ge [sflag:s12], $0x1F40  }
0x50: {  	[sflag:s12] =	ssyncset.done $0x0  }
0x51: {  	s8 =	rddreg [dreg:$0x6];
	[sflag:s12] =	ssyncadd.s32 $0xFFFFE0C0  }
0x52: {  	[spmem:s8] =	stream.linear.scatter [tilespmem:s13], [sflag:$0x9], $0x7D0, $0x38;
	[tilespmem:$0x1D760] =	vst v63  }
0x53: {  	_ =	swait.ge [sflag:s12], $0x7D0  }
0x54: {  	[sflag:s12] =	ssyncset.done $0x0  }
0x55: {  	s9 =	rddreg [dreg:$0x7];
	[sflag:s12] =	ssyncadd.s32 $0xFFFFF830  }
0x56: {  	[spmem:s9] =	stream.linear.scatter [tilespmem:s11], [sflag:$0x9], $0x1F40, $0x38;
	[tilespmem:$0x1D760] =	vst v63  }
0x57: {  	_ =	swait.ge [sflag:s12], $0x1F40  }
0x58: {  	[sflag:s12] =	ssyncset.done $0x0  }
0x59: {  	s15 =	rddreg [dreg:$0x8];
	[sflag:s12] =	ssyncadd.s32 $0xFFFFE0C0  }
0x5a: {  	[spmem:s15] =	stream.linear.scatter [tilespmem:s13], [sflag:$0x9], $0x7D0, $0x38;
	[tilespmem:$0x1D760] =	vst v63  }
0x5b: {  	_ =	swait.ge [sflag:s12], $0x7D0  }
0x5c: {  	[sflag:s12] =	ssyncset.done $0x0  }
0x5d: {  	s28 =	rddreg [dreg:$0x9];
	[sflag:s12] =	ssyncadd.s32 $0xFFFFF830  }
0x5e: {  	[spmem:s28] =	stream.linear.scatter [tilespmem:s11], [sflag:$0x9], $0x1F40, $0x38;
	[tilespmem:$0x1D760] =	vst v63  }
0x5f: {  	_ =	swait.ge [sflag:s12], $0x1F40  }
0x60: {  	[sflag:s12] =	ssyncset.done $0x0  }
0x61: {  	s29 =	rddreg [dreg:$0xa];
	[sflag:s12] =	ssyncadd.s32 $0xFFFFE0C0  }
0x62: {  	[spmem:s29] =	stream.linear.scatter [tilespmem:s13], [sflag:$0x9], $0x7D0, $0x38;
	[tilespmem:$0x1D760] =	vst v63  }
0x63: {  	_ =	swait.ge [sflag:s12], $0x7D0  }
0x64: {  	[sflag:s12] =	ssyncset.done $0x0  }
0x65: {  	s30 =	rddreg [dreg:$0xb];
	[sflag:s12] =	ssyncadd.s32 $0xFFFFF830  }
0x66: {  	[spmem:s30] =	stream.linear.scatter [tilespmem:s11], [sflag:$0x9], $0x1F40, $0x38;
	[tilespmem:$0x1D760] =	vst v63  }
0x67: {  	_ =	swait.ge [sflag:s12], $0x1F40  }
0x68: {  	[sflag:s12] =	ssyncset.done $0x0  }
0x69: {  	s31 =	rddreg [dreg:$0xd];
	[sflag:s12] =	ssyncadd.s32 $0xFFFFE0C0  }
0x6a: {  	[spmem:s31] =	stream.linear.scatter [tilespmem:s13], [sflag:$0x9], $0x7D0, $0x38;
	[tilespmem:$0x1D760] =	vst v63  }
0x6b: {  	_ =	swait.ge [sflag:s12], $0x7D0  }
0x6c: {  	[sflag:s12] =	ssyncset.done $0x0  }
0x6d: {  	s1 =	rddreg [dreg:$0xe];
	[sflag:s12] =	ssyncadd.s32 $0xFFFFF830  }
0x6e: {  	[spmem:s1] =	stream.linear.scatter [tilespmem:s11], [sflag:$0x9], $0x1F40, $0x38;
	[tilespmem:$0x1D760] =	vst v63  }
0x6f: {  	_ =	swait.ge [sflag:s12], $0x1F40  }
0x70: {  	[sflag:s12] =	ssyncset.done $0x0  }
0x71: {  	s8 =	rddreg [dreg:$0xf];
	[sflag:s12] =	ssyncadd.s32 $0xFFFFE0C0  }
0x72: {  	[spmem:s8] =	stream.linear.scatter [tilespmem:s13], [sflag:$0x9], $0x7D0, $0x38;
	[tilespmem:$0x1D760] =	vst v63  }
0x73: {  	_ =	swait.ge [sflag:s12], $0x7D0  }
0x74: {  	[sflag:s12] =	ssyncset.done $0x0  }
0x75: {  	s9 =	rddreg [dreg:$0x10];
	[sflag:s12] =	ssyncadd.s32 $0xFFFFF830  }
0x76: {  	[spmem:s9] =	stream.linear.scatter [tilespmem:s11], [sflag:$0x9], $0x1F40, $0x38;
	[tilespmem:$0x1D760] =	vst v63  }
0x77: {  	_ =	swait.ge [sflag:s12], $0x1F40  }
0x78: {  	[sflag:s12] =	ssyncset.done $0x0  }
0x79: {  	s15 =	rddreg [dreg:$0x11];
	[sflag:s12] =	ssyncadd.s32 $0xFFFFE0C0  }
0x7a: {  	[spmem:s15] =	stream.linear.scatter [tilespmem:s13], [sflag:$0x9], $0x7D0, $0x38;
	[tilespmem:$0x1D760] =	vst v63  }
0x7b: {  	_ =	swait.ge [sflag:s12], $0x7D0  }
0x7c: {  	[sflag:s12] =	ssyncset.done $0x0  }
0x7d: {  	s28 =	rddreg [dreg:$0x12];
	[sflag:s12] =	ssyncadd.s32 $0xFFFFF830  }
0x7e: {  	[spmem:s28] =	stream.linear.scatter [tilespmem:s11], [sflag:$0x9], $0x1F40, $0x38;
	[tilespmem:$0x1D760] =	vst v63  }
0x7f: {  	_ =	swait.ge [sflag:s12], $0x1F40  }
0x80: {  	[sflag:s12] =	ssyncset.done $0x0  }
0x81: {  	s29 =	rddreg [dreg:$0x13];
	[sflag:s12] =	ssyncadd.s32 $0xFFFFE0C0  }
0x82: {  	[spmem:s29] =	stream.linear.scatter [tilespmem:s13], [sflag:$0x9], $0x7D0, $0x38;
	[tilespmem:$0x1D760] =	vst v63  }
0x83: {  	_ =	swait.ge [sflag:s12], $0x7D0  }
0x84: {  	[sflag:s12] =	ssyncset.done $0x0  }
0x85: {  	s30 =	rddreg [dreg:$0x14];
	[sflag:s12] =	ssyncadd.s32 $0xFFFFF830  }
0x86: {  	[spmem:s30] =	stream.linear.scatter [tilespmem:s11], [sflag:$0x9], $0x1F40, $0x38;
	[tilespmem:$0x1D760] =	vst v63  }
0x87: {  	_ =	swait.ge [sflag:s12], $0x1F40  }
0x88: {  	[sflag:s12] =	ssyncset.done $0x0  }
0x89: {  	s31 =	rddreg [dreg:$0x15];
	[sflag:s12] =	ssyncadd.s32 $0xFFFFE0C0  }
0x8a: {  	[spmem:s31] =	stream.linear.scatter [tilespmem:s13], [sflag:$0x9], $0x7D0, $0x38;
	[tilespmem:$0x1D760] =	vst v63  }
0x8b: {  	_ =	swait.ge [sflag:s12], $0x7D0  }
0x8c: {  	[sflag:s12] =	ssyncset.done $0x0  }
0x8d: {  	[sflag:s12] =	ssyncadd.s32 $0xFFFFF830  }
.LBB2_5:
0x8e: {  	[bflag:$0x0] =	sbarrier.arrive $0xFFFF  }
0x8f: {  	s0 =	rddreg [dreg:$0x16]  }
0x90: {  	[tilespmem:s5], [sflag:$0x9] =	stream.linear.gather [hbm4b:s0+s5], $0x4E80, $0x38;
	[tilespmem:$0x1D760] =	vst v63  }
0x91: {  	_ =	swait.ge [sflag:s12], $0x4E80  }
0x92: {  	[sflag:s12] =	ssyncset.done $0x0  }
0x93: {  	s1 =	simm.s32 $0x4E80;
	s31 =	rddreg [dreg:$0x17];
	[sflag:s12] =	ssyncadd.s32 $0xFFFFB180  }
0x94: {  	[tilespmem:s1], [sflag:$0x9] =	stream.linear.gather [hbm4b:s31+s5], $0x4E80, $0x38;
	[tilespmem:$0x1D760] =	vst v63  }
0x95: {  	_ =	swait.ge [sflag:s12], $0x4E80  }
0x96: {  	[sflag:s12] =	ssyncset.done $0x0  }
.Ltmp4:
0x97: {  	[sflag:s12] =	ssyncadd.s32 $0xFFFFB180;
	(pc) =	sbr.rel .LBB2_6-.Ltmp4, $4  }
0x98: {  	[tilespmem:s18], [sflag:$0x1] =	stream.indirect.gather [hbm4b:s17+s16], $0x40, s5, s16, $0xb8;
	[tilespmem:$0x1D760] =	vst v63  }
0x99: {  	s0 =	simm.s32 @p0 $0x0;
	s1 =	simm.s32 @p0 $0xDD00;
	s8 =	rddreg [dreg:$0x18]  }
0x9a: {  	[tilespmem:s1], [sflag:$0x5] =	stream.linear.gather @p0 [hbm4b:s8+s0], $0x800, $0x38;
	[tilespmem:$0x1D760] =	vst v63  }
0x9b: {  	s0 =	simm.s32 $0x0  }
.LBB2_16:
0x9c: {  	s0 =	sadd.s32 $0x1, s0  }
0x9d: {  	p2 =	sne.s32 s0, $0x4F  }
.Ltmp5:
0x9e: {  	_ = 	snop;
	(pc) =	sbr.rel @!p2 .LBB2_17-.Ltmp5, $1  }
0x9f: {  	_ =	sdelay $0x3  }
.LBB2_6:
0xa0: {  	s15 =	sshll.u32 s0, $0x1;
	p2 =	seq.s32 s0, $0x0  }
0xa1: {  	s1 =	sadd.s32 @!p2 s15, s10  }
0xa2: {  	s8 =	smulhi.u32 @!p2 $0x68DB8BAD, s1;
	s28 =	sshra.s32 @!p2 s1, $0x1F  }
0xa3: {  	s28 =	smul.u32 @!p2 $0x68DB8BAD, s28;
	_ =	sdelay $0x1  }
0xa4: {  	s8 =	sadd.s32 @!p2 s28, s8  }
0xa5: {  	s28 =	sshrl.u32 @!p2 s8, $0x1F;
	s8 =	sshra.s32 @!p2 s8, $0x9  }
0xa6: {  	s8 =	sadd.s32 @!p2 s28, s8  }
0xa7: {  	s28 =	smul.u32 @!p2 $0xFFFFFB1E, s8  }
0xa8: {  	s29 =	ssub.s32 @!p2 $0x0, s1  }
0xa9: {  	p3 =	slt.s32 @!p2 s1, $0x1;
	p4 =	sne.s32 @!p2 s28, s29  }
0xaa: {  	p3 =	por @!p2 !p3, !p4  }
0xab: {  	p3 =	por @!p2 !p3, !p3  }
0xac: {  	s1 =	simm.s32 @!p2 $0x1;
	p3 =	por !p3, p2  }
0xad: {  	s1 =	simm.s32 @p3 $0x0  }
0xae: {  	s28 =	simm.s32 @!p2 $0x4;
	s1 =	ssub.s32 @!p2 s8, s1  }
0xaf: {  	_ =	swait.ge @!p2 [sflag:s28], $0x2000;
	p3 =	sne.s32 @!p2 s1, s4  }
0xb0: {  	[sflag:s28] =	ssyncset.done @!p2 $0x0;
	p3 =	por p3, p2  }
0xb1: {  	[sflag:s28] =	ssyncadd.s32 @!p2 $0xFFFFE000;
	s8 =	sor.u32 $0x1, s15;
	s1 =	simm.s32 @!p3 $0x8  }
0xb2: {  	p2 =	sge.u32 s8, s24;
	_ =	swait.ge @!p3 [sflag:s1], $0x800  }
0xb3: {  	s28 =	sshll.u32 @!p2 s8, $0x7;
	[sflag:s1] =	ssyncset.done @!p3 $0x0  }
0xb4: {  	s30 =	simm.s32 @!p2 $0xBD00;
	[sflag:s1] =	ssyncadd.s32 @!p3 $0xFFFFF800;
	s1 =	sadd.s32 @!p2 s6, s8  }
0xb5: {  	s29 =	simm.s32 @!p2 $0x80;
	s28 =	sand.u32 @!p2 $0x3FFFFF80, s28;
	s8 =	smulhi.u32 @!p2 $0x68DB8BAD, s1  }
0xb6: {  	[tilespmem:s30], [sflag:$0x2] =	stream.indirect.gather @!p2 [hbm4b:s17+s29], $0x40, s28, s29, $0xb8;
	[tilespmem:$0x1D760] =	vst v63  }
0xb7: {  	s8 =	sshrl.u32 @!p2 s8, $0x9  }
0xb8: {  	p3 =	sne.s32 @!p2 s8, s4  }
0xb9: {  	p4 =	por p3, p2  }
0xba: {  	s1 =	sshll.u32 @!p4 s1, $0x8  }
0xbb: {  	s8 =	simm.s32 @!p4 $0x0;
	s31 =	simm.s32 @!p4 $0xE500;
	s1 =	sadd.s32 @!p4 s7, s1  }
0xbc: {  	[tilespmem:s31], [sflag:$0x6] =	stream.linear.gather @!p4 [hbm4b:s1+s8], $0x800, $0x38;
	[tilespmem:$0x1D760] =	vst v63  }
0xbd: {  	p4 =	sge.u32 s15, s24  }
.Ltmp6:
0xbe: {  	_ = 	snop;
	(pc) =	sbr.rel @p4 .LBB2_12-.Ltmp6, $1  }
0xbf: {  	_ =	sdelay $0x3  }
0xc0: {  	s8 =	sadd.s32 s6, s15  }
0xc1: {  	s1 =	sshll.u32 s0, $0x8;
	s9 =	smulhi.u32 $0x68DB8BAD, s8  }
0xc2: {  	s1 =	sand.u32 $0x3FFFFF00, s1  }
0xc3: {  	s31 =	sadd.s32 $0x4E80, s1;
	s1 =	sshrl.u32 s9, $0x9  }
0xc4: {  	p4 =	seq.s32 s1, s4  }
.Ltmp7:
0xc5: {  	_ = 	snop;
	(pc) =	sbr.rel @!p4 .LBB2_8-.Ltmp7, $4  }
0xc6: {  	_ =	swait.ge [sflag:s19], $0x2000  }
0xc7: {  	[sflag:s19] =	ssyncset.done $0x0  }
0xc8: {  	[sflag:s19] =	ssyncadd.s32 $0xFFFFE000  }
0xc9: {  	[spmem:s2] =	stream.indirect.scatter.add.f32 [tilespmem:s18], [sflag:$0x3], $0x40, s31, s16, $0xb8;
	[tilespmem:$0x1D760] =	vst v63  }
0xca: {  	_ =	swait.ge [sflag:s20], $0x800  }
0xcb: {  	[sflag:s20] =	ssyncset.done $0x0  }
0xcc: {  	s1 =	simm.s32 $0x0;
	[sflag:s20] =	ssyncadd.s32 $0xFFFFF800  }
0xcd: {  	v3 =	vld [tilespmem:s1+$0xDD00]  }
0xce: {  	v5 =	vld [tilespmem:s1+$0xDD10]  }
0xcf: {  	v4 =	vld [tilespmem:s1+$0xDD20]  }
0xd0: {  	v2 =	vld [tilespmem:s1+$0xDD30]  }
0xd1: {  	v1 =	vld [tilespmem:s1+$0xDD40]  }
0xd2: {  	v6 =	vmax.f32 v3, $0.0e+00;
	v3 =	vld [tilespmem:s1+$0xDD50]  }
0xd3: {  	s8 =	simm.s32 $0x200;
	[tilespmem:s1+$0xDD00] =	vst v6;
	v6 =	vmax.f32 v5, $0.0e+00;
	v5 =	vld [tilespmem:s1+$0xDD60]  }
.LBB2_10:
0xd4: {  	s9 =	sshra.s32 s8, $0x2;
	p4 =	sne.s32 s8, $0x1E00;
	[tilespmem:s1+$0xDD10] =	vst v6;
	v4 =	vmax.f32 v4, $0.0e+00;
	v6 =	vld [tilespmem:s1+$0xDD70]  }
0xd5: {  	v7 =	vld [tilespmem:s9+$0xDD00];
	[tilespmem:s1+$0xDD20] =	vst v4;
	v2 =	vmax.f32 v2, $0.0e+00  }
0xd6: {  	v8 =	vld [tilespmem:s9+$0xDD10];
	[tilespmem:s1+$0xDD30] =	vst v2;
	v1 =	vmax.f32 v1, $0.0e+00  }
.Ltmp8:
0xd7: {  	v4 =	vld [tilespmem:s9+$0xDD20];
	[tilespmem:s1+$0xDD40] =	vst v1;
	v1 =	vmax.f32 v3, $0.0e+00;
	(pc) =	sbr.rel @p4 .LBB2_10-.Ltmp8, $4  }
0xd8: {  	v2 =	vld [tilespmem:s9+$0xDD30];
	[tilespmem:s1+$0xDD50] =	vst v1;
	v3 =	vmax.f32 v5, $0.0e+00  }
0xd9: {  	v1 =	vld [tilespmem:s9+$0xDD40];
	[tilespmem:s1+$0xDD60] =	vst v3;
	v5 =	vmax.f32 v6, $0.0e+00  }
0xda: {  	v6 =	vmax.f32 v7, $0.0e+00;
	v3 =	vld [tilespmem:s9+$0xDD50];
	[tilespmem:s1+$0xDD70] =	vst v5;
	s1 =	smov.u32 s9  }
0xdb: {  	s8 =	sadd.s32 $0x200, s8;
	[tilespmem:s1+$0xDD00] =	vst v6;
	v6 =	vmax.f32 v8, $0.0e+00;
	v5 =	vld [tilespmem:s1+$0xDD60]  }
0xdc: {  	[tilespmem:s1+$0xDD10] =	vst v6;
	v4 =	vmax.f32 v4, $0.0e+00;
	v63 =	vld [tilespmem:s1+$0xDD70]  }
0xdd: {  	[tilespmem:s1+$0xDD20] =	vst v4;
	v2 =	vmax.f32 v2, $0.0e+00  }
0xde: {  	[tilespmem:s1+$0xDD30] =	vst v2;
	v1 =	vmax.f32 v1, $0.0e+00  }
0xdf: {  	[tilespmem:s1+$0xDD40] =	vst v1;
	v1 =	vmax.f32 v3, $0.0e+00  }
0xe0: {  	[tilespmem:s1+$0xDD50] =	vst v1;
	v1 =	vmax.f32 v5, $0.0e+00  }
0xe1: {  	[tilespmem:s1+$0xDD60] =	vst v1;
	v1 =	vmax.f32 v63, $0.0e+00  }
0xe2: {  	[tilespmem:s1+$0xDD70] =	vst v1  }
0xe3: {  	[spmem:s3] =	stream.indirect.scatter.add.f32 [tilespmem:s21], [sflag:$0x7], $0x10, s31, s16, $0xb8;
	[tilespmem:$0x1D760] =	vst v63  }
0xe4: {  	_ =	swait.ge [sflag:s22], $0x2000  }
.Ltmp9:
0xe5: {  	[sflag:s22] =	ssyncset.done $0x0;
	(pc) =	sbr.rel .LBB2_12-.Ltmp9, $4  }
0xe6: {  	[sflag:s22] =	ssyncadd.s32 $0xFFFFE000  }
0xe7: {  	_ =	swait.ge [sflag:s23], $0x800  }
0xe8: {  	[sflag:s23] =	ssyncset.done $0x0  }
0xe9: {  	[sflag:s23] =	ssyncadd.s32 $0xFFFFF800  }
.LBB2_8:
0xea: {  	_ =	swait.ge [sflag:s22], $0x2000  }
0xeb: {  	[sflag:s22] =	ssyncset.done $0x0  }
0xec: {  	[sflag:s22] =	ssyncadd.s32 $0xFFFFE000  }
.LBB2_12:
0xed: {  	s1 =	sadd.s32 $0x2, s15  }
0xee: {  	p4 =	sge.u32 s1, s24  }
0xef: {  	s8 =	sshll.u32 @!p4 s1, $0x7;
	s1 =	sadd.s32 @!p4 s6, s1;
	s15 =	simm.s32 @!p4 $0x9D00  }
0xf0: {  	s9 =	simm.s32 @!p4 $0x80;
	s8 =	sand.u32 @!p4 $0x3FFFFF80, s8;
	s31 =	smulhi.u32 @!p4 $0x68DB8BAD, s1  }
0xf1: {  	[tilespmem:s15], [sflag:$0x1] =	stream.indirect.gather @!p4 [hbm4b:s17+s9], $0x40, s8, s9, $0xb8;
	[tilespmem:$0x1D760] =	vst v63  }
0xf2: {  	s8 =	sshrl.u32 @!p4 s31, $0x9  }
0xf3: {  	p5 =	sne.s32 @!p4 s8, s4  }
0xf4: {  	p4 =	por p5, p4  }
0xf5: {  	s1 =	sshll.u32 @!p4 s1, $0x8  }
0xf6: {  	s8 =	simm.s32 @!p4 $0x0;
	s9 =	simm.s32 @!p4 $0xDD00;
	s1 =	sadd.s32 @!p4 s7, s1  }
0xf7: {  	[tilespmem:s9], [sflag:$0x5] =	stream.linear.gather @!p4 [hbm4b:s1+s8], $0x800, $0x38;
	[tilespmem:$0x1D760] =	vst v63  }
0xf8: {  	s1 =	simm.s32 @!p2 $0x2  }
0xf9: {  	_ =	swait.ge @!p2 [sflag:s1], $0x2000  }
0xfa: {  	[sflag:s1] =	ssyncset.done @!p2 $0x0  }
0xfb: {  	s15 =	sadd.s32 @!p2 $0x4E80, s28;
	[sflag:s1] =	ssyncadd.s32 @!p2 $0xFFFFE000  }
0xfc: {  	[spmem:s2] =	stream.indirect.scatter.add.f32 @!p2 [tilespmem:s30], [sflag:$0x4], $0x40, s15, s29, $0xb8;
	[tilespmem:$0x1D760] =	vst v63  }
0xfd: {  	p2 =	por p2, p3  }
.Ltmp10:
0xfe: {  	_ = 	snop;
	(pc) =	sbr.rel @p2 .LBB2_16-.Ltmp10, $1  }
0xff: {  	_ =	sdelay $0x3  }
0x100: {  	_ =	swait.ge [sflag:s25], $0x800  }
0x101: {  	[sflag:s25] =	ssyncset.done $0x0  }
0x102: {  	s1 =	simm.s32 $0x0;
	[sflag:s25] =	ssyncadd.s32 $0xFFFFF800  }
0x103: {  	v3 =	vld [tilespmem:s1+$0xE500]  }
0x104: {  	v5 =	vld [tilespmem:s1+$0xE510]  }
0x105: {  	v4 =	vld [tilespmem:s1+$0xE520]  }
0x106: {  	v2 =	vld [tilespmem:s1+$0xE530]  }
0x107: {  	v1 =	vld [tilespmem:s1+$0xE540]  }
0x108: {  	v6 =	vmax.f32 v3, $0.0e+00;
	v3 =	vld [tilespmem:s1+$0xE550]  }
0x109: {  	s8 =	simm.s32 $0x200;
	[tilespmem:s1+$0xE500] =	vst v6;
	v6 =	vmax.f32 v5, $0.0e+00;
	v5 =	vld [tilespmem:s1+$0xE560]  }
.LBB2_14:
0x10a: {  	s9 =	sshra.s32 s8, $0x2;
	p2 =	sne.s32 s8, $0x1E00;
	[tilespmem:s1+$0xE510] =	vst v6;
	v4 =	vmax.f32 v4, $0.0e+00;
	v6 =	vld [tilespmem:s1+$0xE570]  }
0x10b: {  	v7 =	vld [tilespmem:s9+$0xE500];
	[tilespmem:s1+$0xE520] =	vst v4;
	v2 =	vmax.f32 v2, $0.0e+00  }
0x10c: {  	v8 =	vld [tilespmem:s9+$0xE510];
	[tilespmem:s1+$0xE530] =	vst v2;
	v1 =	vmax.f32 v1, $0.0e+00  }
.Ltmp11:
0x10d: {  	v4 =	vld [tilespmem:s9+$0xE520];
	[tilespmem:s1+$0xE540] =	vst v1;
	v1 =	vmax.f32 v3, $0.0e+00;
	(pc) =	sbr.rel @p2 .LBB2_14-.Ltmp11, $4  }
0x10e: {  	v2 =	vld [tilespmem:s9+$0xE530];
	[tilespmem:s1+$0xE550] =	vst v1;
	v3 =	vmax.f32 v5, $0.0e+00  }
0x10f: {  	v1 =	vld [tilespmem:s9+$0xE540];
	[tilespmem:s1+$0xE560] =	vst v3;
	v5 =	vmax.f32 v6, $0.0e+00  }
0x110: {  	v6 =	vmax.f32 v7, $0.0e+00;
	v3 =	vld [tilespmem:s9+$0xE550];
	[tilespmem:s1+$0xE570] =	vst v5;
	s1 =	smov.u32 s9  }
0x111: {  	s8 =	sadd.s32 $0x200, s8;
	[tilespmem:s1+$0xE500] =	vst v6;
	v6 =	vmax.f32 v8, $0.0e+00;
	v5 =	vld [tilespmem:s1+$0xE560]  }
0x112: {  	[tilespmem:s1+$0xE510] =	vst v6;
	v4 =	vmax.f32 v4, $0.0e+00;
	v63 =	vld [tilespmem:s1+$0xE570]  }
0x113: {  	[tilespmem:s1+$0xE520] =	vst v4;
	v2 =	vmax.f32 v2, $0.0e+00  }
0x114: {  	[tilespmem:s1+$0xE530] =	vst v2;
	v1 =	vmax.f32 v1, $0.0e+00  }
.Ltmp12:
0x115: {  	[tilespmem:s1+$0xE540] =	vst v1;
	v1 =	vmax.f32 v3, $0.0e+00;
	(pc) =	sbr.rel .LBB2_16-.Ltmp12, $4  }
0x116: {  	[tilespmem:s1+$0xE550] =	vst v1;
	v1 =	vmax.f32 v5, $0.0e+00  }
0x117: {  	[tilespmem:s1+$0xE560] =	vst v1;
	v1 =	vmax.f32 v63, $0.0e+00  }
0x118: {  	[tilespmem:s1+$0xE570] =	vst v1  }
0x119: {  	[spmem:s3] =	stream.indirect.scatter.add.f32 [tilespmem:s26], [sflag:$0x8], $0x10, s15, s16, $0xb8;
	[tilespmem:$0x1D760] =	vst v63  }
.LBB2_18:
0x11a: {  	_ =	sfence.sel $0x180000  }
0x11b: {  	[bflag:$0x0] =	sbarrier.arrive $0xFFFF  }
0x11c: {  	_ =	strace $0x90000047  }
0x11d: {  	s0 =	stileid.u32;
	[bflag:$0x2] =	sbarrier.arrive $0xFFFF  }
0x11e: {  	p0 =	sne.s32 s0, $0x0;
	s0 =	rddreg [dreg:$0x4]  }
0x11f: {  	s0 =	sadd.s32 @!p0 $0x100000, s0  }
0x120: {  	[sflag:s0] =	ssyncadd.tile.s32 @!p0 $0x1;
	_ =	shalt  }
.Lfunc_end2:
_tile_overlayer_lowered:
.L_overlay_start_2:
0x121: {  	(tag) =	ssettag $0x2  }
0x122: {  	s0 =	rddreg [dreg:$0x0];
	s2 =	stileid.u32  }
0x123: {  	s1 =	rddreg [dreg:$0x1];
	p0 =	sne.s32 s2, $0x0  }
0x124: {  	s3 =	rddreg [dreg:$0x2];
	[bflag:$0x3] =	sbarrier.arrive $0xFFFF;
	s2 =	simm.s32 @!p0 $0x1C09  }
0x125: {  	[timem:s3], [sflag:s2] =	dma.local @!p0 [hbm:s0], s1  }
0x126: {  	s0 =	simm.s32 @!p0 $0x9  }
0x127: {  	_ =	swait.ge @!p0 [sflag:s0], s1  }
0x128: {  	s1 =	ssub.s32 @!p0 $0x0, s1;
	[sflag:s0] =	ssyncset.done @!p0 $0x0  }
0x129: {  	[sflag:s0] =	ssyncadd.s32 @!p0 s1  }
0x12a: {  	[bflag:$0x3] =	sbarrier.arrive $0xFFFF  }
0x12b: {  	_ =	shalt  }

</sc_bundles>
